<compile_context>
chip_gen: v7x
topology: tpu7x:2x2x1
jax: 0.10.2.dev20260603
libtpu: 0.0.44.dev20260713+nightly
codegen_flags: <defaults>
</compile_context>

<pallas_src>
import jax
import jax.numpy as jnp
from jax import lax
from jax.experimental import pallas as pl
from jax.experimental.pallas import tpu as pltpu
from jax.experimental.pallas import tpu_sc as plsc

N = 10000
E = 160000
D_IN = 128
H = 128
G = 64

NC = 2
NS = 16
NW = NC * NS
CHUNK = 128
CPW = 40
E_PAD = NW * CPW * CHUNK
N_ACC = 10240
RPS = N_ACC // NS
ZC = ((RPS + 15) // 16) * 16
ROWS_BLK = 1000
N_BLKS = N // ROWS_BLK



def _in_mlp_body(x_ref, w_ref, b_ref, o_ref):
    y = jnp.dot(x_ref[...], w_ref[...], preferred_element_type=jnp.float32)
    o_ref[...] = jnp.maximum(y + b_ref[...], 0.0)


def _in_mlp(x, W, b2d):
    return pl.pallas_call(
        _in_mlp_body,
        grid=(N_BLKS,),
        in_specs=[
            pl.BlockSpec((ROWS_BLK, D_IN), lambda i: (i, 0)),
            pl.BlockSpec((D_IN, H), lambda i: (0, 0)),
            pl.BlockSpec((1, H), lambda i: (0, 0)),
        ],
        out_specs=pl.BlockSpec((ROWS_BLK, H), lambda i: (i, 0)),
        out_shape=jax.ShapeDtypeStruct((N, H), jnp.float32),
    )(x, W, b2d)



def _edge_agg_body(h_hbm, e_hbm, acc_out, cnt_out,
                   esrc, edst, msg, ones_v, zcnt, acc, cnt,
                   semg0, semg1, sems, semc):
    c = lax.axis_index("c")
    s = lax.axis_index("s")
    wid = c * NS + s
    base = wid * CPW

    pltpu.sync_copy(e_hbm.at[0, pl.ds(base, CPW)], esrc)
    pltpu.sync_copy(e_hbm.at[1, pl.ds(base, CPW)], edst)

    zeros16 = jnp.zeros((16,), jnp.float32)
    ones16 = jnp.ones((16,), jnp.float32)

    def zrow(r, carry):
        for k in range(H // 16):
            msg[0, r, pl.ds(k * 16, 16)] = zeros16
        return carry
    lax.fori_loop(0, CHUNK, zrow, 0)

    def zc(i, carry):
        zcnt[pl.ds(i * 16, 16)] = zeros16
        return carry
    lax.fori_loop(0, ZC // 16, zc, 0)

    for k in range(CHUNK // 16):
        ones_v[pl.ds(k * 16, 16)] = ones16

    for k in range(RPS // CHUNK):
        pltpu.sync_copy(msg.at[0], acc.at[pl.ds(s * RPS + k * CHUNK, CHUNK)])
    rem = RPS - (RPS // CHUNK) * CHUNK
    if rem:
        pltpu.sync_copy(msg.at[0, pl.ds(0, rem)],
                        acc.at[pl.ds(s * RPS + (RPS // CHUNK) * CHUNK, rem)])
    pltpu.sync_copy(zcnt.at[pl.ds(0, RPS)], cnt.at[pl.ds(s * RPS, RPS)])

    plsc.subcore_barrier()

    pltpu.async_copy(h_hbm.at[esrc.at[0]], msg.at[0], semg0)
    pltpu.async_copy(h_hbm.at[esrc.at[1]], msg.at[1], semg1)

    def do_chunk(j, b):
        semg = semg0 if b == 0 else semg1
        pltpu.make_async_copy(h_hbm.at[esrc.at[j]], msg.at[b], semg).wait()
        d = pltpu.async_copy(msg.at[b], acc.at[edst.at[j]], sems, add=True)

        @pl.when(j > 0)
        def _():
            pltpu.make_async_copy(ones_v, cnt.at[edst.at[j]], semc).wait()
        pltpu.async_copy(ones_v, cnt.at[edst.at[j]], semc, add=True)
        d.wait()

        @pl.when(j + 2 < CPW)
        def _():
            pltpu.async_copy(h_hbm.at[esrc.at[j + 2]], msg.at[b], semg)

    def step(jj, carry):
        for b in range(2):
            do_chunk(jj * 2 + b, b)
        return carry
    lax.fori_loop(0, CPW // 2, step, 0)
    if CPW % 2:
        do_chunk(jnp.int32(CPW - 1), (CPW - 1) % 2)
    pltpu.make_async_copy(ones_v, cnt.at[edst.at[0]], semc).wait()

    plsc.subcore_barrier()

    pltpu.sync_copy(acc.at[pl.ds(s * RPS, RPS)],
                    acc_out.at[c, pl.ds(s * RPS, RPS)])
    pltpu.sync_copy(cnt.at[pl.ds(s * RPS, RPS)],
                    cnt_out.at[c, pl.ds(s * RPS, RPS)])


def _edge_agg(h, e_pad):
    mesh = plsc.VectorSubcoreMesh(core_axis_name="c", subcore_axis_name="s")
    f = pl.kernel(
        _edge_agg_body,
        out_type=[
            jax.ShapeDtypeStruct((NC, N_ACC, H), jnp.float32),
            jax.ShapeDtypeStruct((NC, N_ACC), jnp.float32),
        ],
        mesh=mesh,
        scratch_types=[
            pltpu.VMEM((CPW, CHUNK), jnp.int32),
            pltpu.VMEM((CPW, CHUNK), jnp.int32),
            pltpu.VMEM((2, CHUNK, H), jnp.float32),
            pltpu.VMEM((CHUNK,), jnp.float32),
            pltpu.VMEM((ZC,), jnp.float32),
            pltpu.VMEM_SHARED((N_ACC, H), jnp.float32),
            pltpu.VMEM_SHARED((N_ACC,), jnp.float32),
            pltpu.SemaphoreType.DMA,
            pltpu.SemaphoreType.DMA,
            pltpu.SemaphoreType.DMA,
            pltpu.SemaphoreType.DMA,
        ],
    )
    return f(h, e_pad)



def _tail_body(h_ref, a0_ref, a1_ref, c_ref, b_ref,
               wg_ref, bg_ref, w1_ref, b1_ref, w2_ref, b2_ref, bp_ref,
               out_ref, gsum, gcnt):
    i = pl.program_id(0)

    @pl.when(i == 0)
    def _():
        gsum[...] = jnp.zeros_like(gsum)
        gcnt[...] = jnp.zeros_like(gcnt)

    cnt = lax.dot_general(c_ref[0], jnp.ones((2, 1), jnp.float32),
                          (((0,), (0,)), ((), ())),
                          preferred_element_type=jnp.float32)
    bcol = lax.dot_general(b_ref[0].astype(jnp.float32),
                           jnp.ones((1, 1), jnp.float32),
                           (((0,), (0,)), ((), ())),
                           preferred_element_type=jnp.float32)
    agg = (a0_ref[0] + a1_ref[0]) / jnp.maximum(cnt, 1.0)
    h2 = jnp.dot(h_ref[...] + agg, wg_ref[...],
                 preferred_element_type=jnp.float32) + bg_ref[...]
    h2 = jnp.maximum(h2, 0.0)

    onehot = (bcol ==
              lax.broadcasted_iota(jnp.int32, (ROWS_BLK, G), 1)
              .astype(jnp.float32)).astype(jnp.float32)
    gsum[...] += lax.dot_general(onehot, h2, (((0,), (0,)), ((), ())),
                                 preferred_element_type=jnp.float32,
                                 precision=lax.Precision.HIGHEST)
    gcnt[...] += lax.dot_general(onehot, jnp.ones((ROWS_BLK, 1), jnp.float32),
                                 (((0,), (0,)), ((), ())),
                                 preferred_element_type=jnp.float32)

    @pl.when(i == N_BLKS - 1)
    def _():
        gmean = gsum[...] / jnp.maximum(gcnt[...], 1.0)
        hid = jnp.dot(gmean, w1_ref[...],
                      preferred_element_type=jnp.float32) + b1_ref[...]
        hid = jnp.maximum(hid, 0.0)
        props = jnp.dot(hid, w2_ref[...],
                        preferred_element_type=jnp.float32)
        props = props + b2_ref[...] + bp_ref[...]
        ii = lax.broadcasted_iota(jnp.int32, (G, 4), 1)
        props = jnp.where(ii == 1, jax.nn.sigmoid(props), props)
        props = jnp.where(ii == 2, jnp.maximum(props, 0.0) + 1.0, props)
        out_ref[...] = props


def _tail(h, acc, cpair, brow, W_gnn, bg2d, W_h1, b12d, W_h2, b22d, bp2d):
    full = lambda r, c_: pl.BlockSpec((r, c_), lambda i: (0, 0))
    rows = lambda c_: pl.BlockSpec((ROWS_BLK, c_), lambda i: (i, 0))
    return pl.pallas_call(
        _tail_body,
        grid=(N_BLKS,),
        in_specs=[
            rows(H),
            pl.BlockSpec((1, ROWS_BLK, H), lambda i: (0, i, 0)),
            pl.BlockSpec((1, ROWS_BLK, H), lambda i: (1, i, 0)),
            pl.BlockSpec((1, 2, ROWS_BLK), lambda i: (i, 0, 0)),
            pl.BlockSpec((1, 1, ROWS_BLK), lambda i: (i, 0, 0)),
            full(H, H), full(1, H), full(H, H // 2), full(1, H // 2),
            full(H // 2, 4), full(1, 4), full(1, 4),
        ],
        out_specs=pl.BlockSpec((G, 4), lambda i: (0, 0)),
        out_shape=jax.ShapeDtypeStruct((G, 4), jnp.float32),
        scratch_shapes=[
            pltpu.VMEM((G, H), jnp.float32),
            pltpu.VMEM((G, 1), jnp.float32),
        ],
        compiler_params=pltpu.CompilerParams(
            dimension_semantics=("arbitrary",)),
    )(h, acc, acc, cpair, brow, W_gnn, bg2d, W_h1, b12d, W_h2, b22d, bp2d)



def kernel(x, edge_index, batch, W_in, b_in, W_gnn, b_gnn,
           W_h1, b_h1, W_h2, b_h2, bias_props):
    pad = E_PAD - E
    pad_src = jnp.arange(pad, dtype=jnp.int32) % N
    pad_dst = N + (jnp.arange(pad, dtype=jnp.int32) % (N_ACC - N))
    e_pad = jnp.concatenate(
        [edge_index, jnp.stack([pad_src, pad_dst])],
        axis=1).reshape(2, E_PAD // CHUNK, CHUNK)

    h = _in_mlp(x, W_in, b_in.reshape(1, H))
    acc, cnt = _edge_agg(h, e_pad)

    out4 = _tail(
        h, acc,
        cnt[:, :N].reshape(2, N_BLKS, ROWS_BLK).transpose(1, 0, 2),
        batch.reshape(N_BLKS, 1, ROWS_BLK),
        W_gnn, b_gnn.reshape(1, H),
        W_h1, b_h1.reshape(1, H // 2),
        W_h2, b_h2.reshape(1, 4), bias_props.reshape(1, 4),
    )
    return (out4[:, 0], out4[:, 1], out4[:, 2], out4[:, 3])

# --- scband reference (transcript-rebuilt; emitter-appended) ---
"""Pipeline reference for scband-ultra-light-gnnproxy-65798898974920 (READ-ONLY COPY).

The authoritative reference and input builder live on the scoring server;
editing this copy changes nothing except your own understanding.
"""

import jax, jax.numpy as jnp
import numpy as np

N = 10000
E = 160000
D_IN = 128
H = 128
G = 64
NUM_LAYERS = 1


def setup_inputs(seed: int = 0) -> dict:
    key = jax.random.key(seed)
    ks = jax.random.split(key, 12)
    x = jax.random.normal(ks[0], (N, D_IN), dtype=jnp.float32)
    edge_index = jax.random.randint(ks[1], (2, E), 0, N, dtype=jnp.int32)
    batch = jnp.sort(jax.random.randint(ks[2], (N,), 0, G, dtype=jnp.int32))
    s = 0.05
    W_in = jax.random.normal(ks[3], (D_IN, H), dtype=jnp.float32) * s
    b_in = jnp.zeros((H,), dtype=jnp.float32)
    W_gnn = jax.random.normal(ks[4], (H, H), dtype=jnp.float32) * s
    b_gnn = jnp.zeros((H,), dtype=jnp.float32)
    W_h1 = jax.random.normal(ks[5], (H, H // 2), dtype=jnp.float32) * s
    b_h1 = jnp.zeros((H // 2,), dtype=jnp.float32)
    W_h2 = jax.random.normal(ks[6], (H // 2, 4), dtype=jnp.float32) * s
    b_h2 = jnp.zeros((4,), dtype=jnp.float32)
    bias_props = jnp.zeros((4,), dtype=jnp.float32)
    return {
        'x': x, 'edge_index': edge_index, 'batch': batch,
        'W_in': W_in, 'b_in': b_in, 'W_gnn': W_gnn, 'b_gnn': b_gnn,
        'W_h1': W_h1, 'b_h1': b_h1, 'W_h2': W_h2, 'b_h2': b_h2,
        'bias_props': bias_props,
    }


def reference(x, edge_index, batch, W_in, b_in, W_gnn, b_gnn, W_h1, b_h1, W_h2, b_h2, bias_props):
    src = edge_index[0]
    dst = edge_index[1]
    # CrossGVP backbone (lightweight message-passing proxy)
    h = jax.nn.relu(x @ W_in + b_in)
    ones_e = jnp.ones((E,), dtype=jnp.float32)
    for _ in range(NUM_LAYERS):
        msg = h[src]
        agg_sum = jax.ops.segment_sum(msg, dst, num_segments=N)
        cnt = jax.ops.segment_sum(ones_e, dst, num_segments=N)
        agg = agg_sum / jnp.clip(cnt, 1.0)[:, None]
        h = jax.nn.relu((h + agg) @ W_gnn + b_gnn)
    # scatter_mean pooling over graph batch ids
    g_sum = jax.ops.segment_sum(h, batch, num_segments=G)
    g_cnt = jax.ops.segment_sum(jnp.ones((N,), dtype=jnp.float32), batch, num_segments=G)
    h_graph = g_sum / jnp.clip(g_cnt, 1.0)[:, None]
    # shared head (Dropout is identity at inference)
    hidden = jax.nn.relu(h_graph @ W_h1 + b_h1)
    props = hidden @ W_h2 + b_h2
    props = props + bias_props[None, :]
    affinity = props[:, 0]
    qed = jax.nn.sigmoid(props[:, 1])
    sa = jax.nn.relu(props[:, 2]) + 1.0
    tpsa = props[:, 3]
    return (affinity, qed, sa, tpsa)

if __name__ == "__main__":
    import jax
    _d = setup_inputs()
    print(jax.jit(kernel)(*tuple(_d.values())))

</pallas_src>

<mosaic_0001>
#map = affine_map<(d0, d1) -> (0, 0)>
#map1 = affine_map<(d0, d1) -> (0, 0, 0)>
module attributes {stable_mosaic.version = 14 : i64} {
  func.func @_edge_agg_body(%arg0: i32, %arg1: i32, %arg2: memref<10000x128xf32, #tpu.memory_space<hbm>>, %arg3: memref<2x1280x128xi32, #tpu.memory_space<hbm>>, %arg4: memref<2x10240x128xf32, #tpu.memory_space<hbm>>, %arg5: memref<2x10240xf32, #tpu.memory_space<hbm>>, %arg6: memref<40x128xi32, #tpu.memory_space<vmem>>, %arg7: memref<40x128xi32, #tpu.memory_space<vmem>>, %arg8: memref<2x128x128xf32, #tpu.memory_space<vmem>>, %arg9: memref<128xf32, #tpu.memory_space<vmem>>, %arg10: memref<640xf32, #tpu.memory_space<vmem>>, %arg11: memref<10240x128xf32, #tpu.memory_space<vmem_shared>>, %arg12: memref<10240xf32, #tpu.memory_space<vmem_shared>>, %arg13: memref<!tpu.dma_semaphore, #tpu.memory_space<semaphore_mem>>, %arg14: memref<!tpu.dma_semaphore, #tpu.memory_space<semaphore_mem>>, %arg15: memref<!tpu.dma_semaphore, #tpu.memory_space<semaphore_mem>>, %arg16: memref<!tpu.dma_semaphore, #tpu.memory_space<semaphore_mem>>) attributes {dimension_semantics = [#tpu.dimension_semantics<core_parallel>, #tpu.dimension_semantics<subcore_parallel>], iteration_bounds = array<i64: 2, 16>, scalar_prefetch = 0 : i64, scratch_operands = 11 : i64, tpu.core_type = #tpu.core_type<sc_vector_subcore>, window_params = [{transform_indices = #map}, {transform_indices = #map1}, {transform_indices = #map1}, {transform_indices = #map}]} {
    %mul3A = arith.constant 16 : i32
    %mul3A_0 = arith.muli %arg0, %mul3A : i32
    %add3A = arith.addi %mul3A_0, %arg1 : i32
    %mul3A_1 = arith.constant 40 : i32
    %mul3A_2 = arith.muli %add3A, %mul3A_1 : i32
    %run_scoped3A = arith.constant 0 : i32
    "tpu.region"() ({
      %run_scoped3A_119 = tpu.sem_alloc : memref<!tpu.dma_semaphore, #tpu.memory_space<semaphore_mem>>
      %dma_start3A_120 = arith.constant 0 : i32
      %dma_start3A_121 = tpu.memref_slice %arg3[%run_scoped3A, %mul3A_2, %dma_start3A_120] : memref<2x1280x128xi32, #tpu.memory_space<hbm>> -> memref<1x40x128xi32, #tpu.memory_space<hbm>>
      %dma_start3A_122 = tpu.memref_squeeze %dma_start3A_121 : memref<1x40x128xi32, #tpu.memory_space<hbm>> -> memref<40x128xi32, #tpu.memory_space<hbm>>
      %dma_start3A_123 = arith.constant 0 : i32
      %dma_start3A_124 = tpu.memref_slice %arg3[%run_scoped3A, %mul3A_2, %dma_start3A_123] : memref<2x1280x128xi32, #tpu.memory_space<hbm>> -> memref<1x40x128xi32, #tpu.memory_space<hbm>>
      %dma_start3A_125 = tpu.memref_squeeze %dma_start3A_124 : memref<1x40x128xi32, #tpu.memory_space<hbm>> -> memref<40x128xi32, #tpu.memory_space<hbm>>
      tpu.enqueue_dma source(%dma_start3A_125 : memref<40x128xi32, #tpu.memory_space<hbm>>) target(%arg6 : memref<40x128xi32, #tpu.memory_space<vmem>>) target_semaphore(%run_scoped3A_119 : memref<!tpu.dma_semaphore, #tpu.memory_space<semaphore_mem>>)
      %dma_wait3A_126 = arith.constant 0 : i32
      %dma_wait3A_127 = tpu.memref_slice %arg3[%run_scoped3A, %mul3A_2, %dma_wait3A_126] : memref<2x1280x128xi32, #tpu.memory_space<hbm>> -> memref<1x40x128xi32, #tpu.memory_space<hbm>>
      %dma_wait3A_128 = tpu.memref_squeeze %dma_wait3A_127 : memref<1x40x128xi32, #tpu.memory_space<hbm>> -> memref<40x128xi32, #tpu.memory_space<hbm>>
      %dma_wait3A_129 = arith.constant 0 : i32
      %dma_wait3A_130 = tpu.memref_slice %arg3[%run_scoped3A, %mul3A_2, %dma_wait3A_129] : memref<2x1280x128xi32, #tpu.memory_space<hbm>> -> memref<1x40x128xi32, #tpu.memory_space<hbm>>
      %dma_wait3A_131 = tpu.memref_squeeze %dma_wait3A_130 : memref<1x40x128xi32, #tpu.memory_space<hbm>> -> memref<40x128xi32, #tpu.memory_space<hbm>>
      tpu.wait_dma2 semaphore(%run_scoped3A_119 : memref<!tpu.dma_semaphore, #tpu.memory_space<semaphore_mem>>) src(%dma_wait3A_131 : memref<40x128xi32, #tpu.memory_space<hbm>>) dst(%arg6 : memref<40x128xi32, #tpu.memory_space<vmem>>)
      tpu.yield
    }) : () -> ()
    %run_scoped3A_3 = arith.constant 1 : i32
    "tpu.region"() ({
      %run_scoped3A_119 = tpu.sem_alloc : memref<!tpu.dma_semaphore, #tpu.memory_space<semaphore_mem>>
      %dma_start3A_120 = arith.constant 0 : i32
      %dma_start3A_121 = tpu.memref_slice %arg3[%run_scoped3A_3, %mul3A_2, %dma_start3A_120] : memref<2x1280x128xi32, #tpu.memory_space<hbm>> -> memref<1x40x128xi32, #tpu.memory_space<hbm>>
      %dma_start3A_122 = tpu.memref_squeeze %dma_start3A_121 : memref<1x40x128xi32, #tpu.memory_space<hbm>> -> memref<40x128xi32, #tpu.memory_space<hbm>>
      %dma_start3A_123 = arith.constant 0 : i32
      %dma_start3A_124 = tpu.memref_slice %arg3[%run_scoped3A_3, %mul3A_2, %dma_start3A_123] : memref<2x1280x128xi32, #tpu.memory_space<hbm>> -> memref<1x40x128xi32, #tpu.memory_space<hbm>>
      %dma_start3A_125 = tpu.memref_squeeze %dma_start3A_124 : memref<1x40x128xi32, #tpu.memory_space<hbm>> -> memref<40x128xi32, #tpu.memory_space<hbm>>
      tpu.enqueue_dma source(%dma_start3A_125 : memref<40x128xi32, #tpu.memory_space<hbm>>) target(%arg7 : memref<40x128xi32, #tpu.memory_space<vmem>>) target_semaphore(%run_scoped3A_119 : memref<!tpu.dma_semaphore, #tpu.memory_space<semaphore_mem>>)
      %dma_wait3A_126 = arith.constant 0 : i32
      %dma_wait3A_127 = tpu.memref_slice %arg3[%run_scoped3A_3, %mul3A_2, %dma_wait3A_126] : memref<2x1280x128xi32, #tpu.memory_space<hbm>> -> memref<1x40x128xi32, #tpu.memory_space<hbm>>
      %dma_wait3A_128 = tpu.memref_squeeze %dma_wait3A_127 : memref<1x40x128xi32, #tpu.memory_space<hbm>> -> memref<40x128xi32, #tpu.memory_space<hbm>>
      %dma_wait3A_129 = arith.constant 0 : i32
      %dma_wait3A_130 = tpu.memref_slice %arg3[%run_scoped3A_3, %mul3A_2, %dma_wait3A_129] : memref<2x1280x128xi32, #tpu.memory_space<hbm>> -> memref<1x40x128xi32, #tpu.memory_space<hbm>>
      %dma_wait3A_131 = tpu.memref_squeeze %dma_wait3A_130 : memref<1x40x128xi32, #tpu.memory_space<hbm>> -> memref<40x128xi32, #tpu.memory_space<hbm>>
      tpu.wait_dma2 semaphore(%run_scoped3A_119 : memref<!tpu.dma_semaphore, #tpu.memory_space<semaphore_mem>>) src(%dma_wait3A_131 : memref<40x128xi32, #tpu.memory_space<hbm>>) dst(%arg7 : memref<40x128xi32, #tpu.memory_space<vmem>>)
      tpu.yield
    }) : () -> ()
    %broadcast_in_dim3A = arith.constant 0.000000e+00 : f32
    %broadcast_in_dim3A_4 = vector.broadcast %broadcast_in_dim3A : f32 to vector<16xf32>
    %broadcast_in_dim3A_5 = arith.constant 1.000000e+00 : f32
    %broadcast_in_dim3A_6 = vector.broadcast %broadcast_in_dim3A_5 : f32 to vector<16xf32>
    %scan3A = arith.constant 0 : i32
    %scan3A_7 = arith.constant 0 : i32
    %scan3A_8 = arith.constant 128 : i32
    %scan3A_9 = arith.addi %scan3A_7, %scan3A_8 : i32
    %scan3A_10 = arith.constant 1 : i32
    scf.for %scan3A_119 = %scan3A_7 to %scan3A_9 step %scan3A_10  : i32 {
      %swap3A_120 = arith.constant 0 : i32
      %swap3A_121 = arith.index_cast %swap3A_120 : i32 to index
      %swap3A_122 = arith.index_cast %scan3A_119 : i32 to index
      %swap3A_123 = arith.constant 0 : index
      %swap3A_124 = tpu.vector_load %arg8[%swap3A_121, %swap3A_122, %swap3A_123] {strides = array<i32>} : memref<2x128x128xf32, #tpu.memory_space<vmem>>, vector<1x1x16xf32>,
      %swap3A_125 = vector.shape_cast %swap3A_124 : vector<1x1x16xf32> to vector<16xf32>
      %swap3A_126 = vector.shape_cast %broadcast_in_dim3A_4 : vector<16xf32> to vector<1x1x16xf32>
      tpu.vector_store %arg8[%swap3A_121, %swap3A_122, %swap3A_123], %swap3A_126 {strides = array<i32>} : memref<2x128x128xf32, #tpu.memory_space<vmem>>, vector<1x1x16xf32>,
      %swap3A_127 = arith.constant 0 : i32
      %swap3A_128 = arith.index_cast %swap3A_127 : i32 to index
      %swap3A_129 = arith.index_cast %scan3A_119 : i32 to index
      %swap3A_130 = arith.constant 16 : index
      %swap3A_131 = tpu.vector_load %arg8[%swap3A_128, %swap3A_129, %swap3A_130] {strides = array<i32>} : memref<2x128x128xf32, #tpu.memory_space<vmem>>, vector<1x1x16xf32>,
      %swap3A_132 = vector.shape_cast %swap3A_131 : vector<1x1x16xf32> to vector<16xf32>
      %swap3A_133 = vector.shape_cast %broadcast_in_dim3A_4 : vector<16xf32> to vector<1x1x16xf32>
      tpu.vector_store %arg8[%swap3A_128, %swap3A_129, %swap3A_130], %swap3A_133 {strides = array<i32>} : memref<2x128x128xf32, #tpu.memory_space<vmem>>, vector<1x1x16xf32>,
      %swap3A_134 = arith.constant 0 : i32
      %swap3A_135 = arith.index_cast %swap3A_134 : i32 to index
      %swap3A_136 = arith.index_cast %scan3A_119 : i32 to index
      %swap3A_137 = arith.constant 32 : index
      %swap3A_138 = tpu.vector_load %arg8[%swap3A_135, %swap3A_136, %swap3A_137] {strides = array<i32>} : memref<2x128x128xf32, #tpu.memory_space<vmem>>, vector<1x1x16xf32>,
      %swap3A_139 = vector.shape_cast %swap3A_138 : vector<1x1x16xf32> to vector<16xf32>
      %swap3A_140 = vector.shape_cast %broadcast_in_dim3A_4 : vector<16xf32> to vector<1x1x16xf32>
      tpu.vector_store %arg8[%swap3A_135, %swap3A_136, %swap3A_137], %swap3A_140 {strides = array<i32>} : memref<2x128x128xf32, #tpu.memory_space<vmem>>, vector<1x1x16xf32>,
      %swap3A_141 = arith.constant 0 : i32
      %swap3A_142 = arith.index_cast %swap3A_141 : i32 to index
      %swap3A_143 = arith.index_cast %scan3A_119 : i32 to index
      %swap3A_144 = arith.constant 48 : index
      %swap3A_145 = tpu.vector_load %arg8[%swap3A_142, %swap3A_143, %swap3A_144] {strides = array<i32>} : memref<2x128x128xf32, #tpu.memory_space<vmem>>, vector<1x1x16xf32>,
      %swap3A_146 = vector.shape_cast %swap3A_145 : vector<1x1x16xf32> to vector<16xf32>
      %swap3A_147 = vector.shape_cast %broadcast_in_dim3A_4 : vector<16xf32> to vector<1x1x16xf32>
      tpu.vector_store %arg8[%swap3A_142, %swap3A_143, %swap3A_144], %swap3A_147 {strides = array<i32>} : memref<2x128x128xf32, #tpu.memory_space<vmem>>, vector<1x1x16xf32>,
      %swap3A_148 = arith.constant 0 : i32
      %swap3A_149 = arith.index_cast %swap3A_148 : i32 to index
      %swap3A_150 = arith.index_cast %scan3A_119 : i32 to index
      %swap3A_151 = arith.constant 64 : index
      %swap3A_152 = tpu.vector_load %arg8[%swap3A_149, %swap3A_150, %swap3A_151] {strides = array<i32>} : memref<2x128x128xf32, #tpu.memory_space<vmem>>, vector<1x1x16xf32>,
      %swap3A_153 = vector.shape_cast %swap3A_152 : vector<1x1x16xf32> to vector<16xf32>
      %swap3A_154 = vector.shape_cast %broadcast_in_dim3A_4 : vector<16xf32> to vector<1x1x16xf32>
      tpu.vector_store %arg8[%swap3A_149, %swap3A_150, %swap3A_151], %swap3A_154 {strides = array<i32>} : memref<2x128x128xf32, #tpu.memory_space<vmem>>, vector<1x1x16xf32>,
      %swap3A_155 = arith.constant 0 : i32
      %swap3A_156 = arith.index_cast %swap3A_155 : i32 to index
      %swap3A_157 = arith.index_cast %scan3A_119 : i32 to index
      %swap3A_158 = arith.constant 80 : index
      %swap3A_159 = tpu.vector_load %arg8[%swap3A_156, %swap3A_157, %swap3A_158] {strides = array<i32>} : memref<2x128x128xf32, #tpu.memory_space<vmem>>, vector<1x1x16xf32>,
      %swap3A_160 = vector.shape_cast %swap3A_159 : vector<1x1x16xf32> to vector<16xf32>
      %swap3A_161 = vector.shape_cast %broadcast_in_dim3A_4 : vector<16xf32> to vector<1x1x16xf32>
      tpu.vector_store %arg8[%swap3A_156, %swap3A_157, %swap3A_158], %swap3A_161 {strides = array<i32>} : memref<2x128x128xf32, #tpu.memory_space<vmem>>, vector<1x1x16xf32>,
      %swap3A_162 = arith.constant 0 : i32
      %swap3A_163 = arith.index_cast %swap3A_162 : i32 to index
      %swap3A_164 = arith.index_cast %scan3A_119 : i32 to index
      %swap3A_165 = arith.constant 96 : index
      %swap3A_166 = tpu.vector_load %arg8[%swap3A_163, %swap3A_164, %swap3A_165] {strides = array<i32>} : memref<2x128x128xf32, #tpu.memory_space<vmem>>, vector<1x1x16xf32>,
      %swap3A_167 = vector.shape_cast %swap3A_166 : vector<1x1x16xf32> to vector<16xf32>
      %swap3A_168 = vector.shape_cast %broadcast_in_dim3A_4 : vector<16xf32> to vector<1x1x16xf32>
      tpu.vector_store %arg8[%swap3A_163, %swap3A_164, %swap3A_165], %swap3A_168 {strides = array<i32>} : memref<2x128x128xf32, #tpu.memory_space<vmem>>, vector<1x1x16xf32>,
      %swap3A_169 = arith.constant 0 : i32
      %swap3A_170 = arith.index_cast %swap3A_169 : i32 to index
      %swap3A_171 = arith.index_cast %scan3A_119 : i32 to index
      %swap3A_172 = arith.constant 112 : index
      %swap3A_173 = tpu.vector_load %arg8[%swap3A_170, %swap3A_171, %swap3A_172] {strides = array<i32>} : memref<2x128x128xf32, #tpu.memory_space<vmem>>, vector<1x1x16xf32>,
      %swap3A_174 = vector.shape_cast %swap3A_173 : vector<1x1x16xf32> to vector<16xf32>
      %swap3A_175 = vector.shape_cast %broadcast_in_dim3A_4 : vector<16xf32> to vector<1x1x16xf32>
      tpu.vector_store %arg8[%swap3A_170, %swap3A_171, %swap3A_172], %swap3A_175 {strides = array<i32>} : memref<2x128x128xf32, #tpu.memory_space<vmem>>, vector<1x1x16xf32>,
    }
    %scan3A_11 = arith.constant 128 : i32
    %scan3A_12 = arith.constant 0 : i32
    %scan3A_13 = arith.constant 0 : i32
    %scan3A_14 = arith.constant 40 : i32
    %scan3A_15 = arith.addi %scan3A_13, %scan3A_14 : i32
    %scan3A_16 = arith.constant 1 : i32
    scf.for %scan3A_119 = %scan3A_13 to %scan3A_15 step %scan3A_16  : i32 {
      %mul3A_120 = arith.constant 16 : i32
      %mul3A_121 = arith.muli %scan3A_119, %mul3A_120 : i32
      %swap3A_122 = arith.index_cast %mul3A_121 : i32 to index
      %swap3A_123 = tpu.vector_load %arg10[%swap3A_122] {strides = array<i32>} : memref<640xf32, #tpu.memory_space<vmem>>, vector<16xf32>,
      %swap3A_124 = vector.shape_cast %swap3A_123 : vector<16xf32> to vector<16xf32>
      %swap3A_125 = vector.shape_cast %broadcast_in_dim3A_4 : vector<16xf32> to vector<16xf32>
      tpu.vector_store %arg10[%swap3A_122], %swap3A_125 {strides = array<i32>} : memref<640xf32, #tpu.memory_space<vmem>>, vector<16xf32>,
    }
    %scan3A_17 = arith.constant 40 : i32
    %swap3A = arith.constant 0 : index
    %swap3A_18 = tpu.vector_load %arg9[%swap3A] {strides = array<i32>} : memref<128xf32, #tpu.memory_space<vmem>>, vector<16xf32>,
    %swap3A_19 = vector.shape_cast %swap3A_18 : vector<16xf32> to vector<16xf32>
    %swap3A_20 = vector.shape_cast %broadcast_in_dim3A_6 : vector<16xf32> to vector<16xf32>
    tpu.vector_store %arg9[%swap3A], %swap3A_20 {strides = array<i32>} : memref<128xf32, #tpu.memory_space<vmem>>, vector<16xf32>,
    %swap3A_21 = arith.constant 16 : index
    %swap3A_22 = tpu.vector_load %arg9[%swap3A_21] {strides = array<i32>} : memref<128xf32, #tpu.memory_space<vmem>>, vector<16xf32>,
    %swap3A_23 = vector.shape_cast %swap3A_22 : vector<16xf32> to vector<16xf32>
    %swap3A_24 = vector.shape_cast %broadcast_in_dim3A_6 : vector<16xf32> to vector<16xf32>
    tpu.vector_store %arg9[%swap3A_21], %swap3A_24 {strides = array<i32>} : memref<128xf32, #tpu.memory_space<vmem>>, vector<16xf32>,
    %swap3A_25 = arith.constant 32 : index
    %swap3A_26 = tpu.vector_load %arg9[%swap3A_25] {strides = array<i32>} : memref<128xf32, #tpu.memory_space<vmem>>, vector<16xf32>,
    %swap3A_27 = vector.shape_cast %swap3A_26 : vector<16xf32> to vector<16xf32>
    %swap3A_28 = vector.shape_cast %broadcast_in_dim3A_6 : vector<16xf32> to vector<16xf32>
    tpu.vector_store %arg9[%swap3A_25], %swap3A_28 {strides = array<i32>} : memref<128xf32, #tpu.memory_space<vmem>>, vector<16xf32>,
    %swap3A_29 = arith.constant 48 : index
    %swap3A_30 = tpu.vector_load %arg9[%swap3A_29] {strides = array<i32>} : memref<128xf32, #tpu.memory_space<vmem>>, vector<16xf32>,
    %swap3A_31 = vector.shape_cast %swap3A_30 : vector<16xf32> to vector<16xf32>
    %swap3A_32 = vector.shape_cast %broadcast_in_dim3A_6 : vector<16xf32> to vector<16xf32>
    tpu.vector_store %arg9[%swap3A_29], %swap3A_32 {strides = array<i32>} : memref<128xf32, #tpu.memory_space<vmem>>, vector<16xf32>,
    %swap3A_33 = arith.constant 64 : index
    %swap3A_34 = tpu.vector_load %arg9[%swap3A_33] {strides = array<i32>} : memref<128xf32, #tpu.memory_space<vmem>>, vector<16xf32>,
    %swap3A_35 = vector.shape_cast %swap3A_34 : vector<16xf32> to vector<16xf32>
    %swap3A_36 = vector.shape_cast %broadcast_in_dim3A_6 : vector<16xf32> to vector<16xf32>
    tpu.vector_store %arg9[%swap3A_33], %swap3A_36 {strides = array<i32>} : memref<128xf32, #tpu.memory_space<vmem>>, vector<16xf32>,
    %swap3A_37 = arith.constant 80 : index
    %swap3A_38 = tpu.vector_load %arg9[%swap3A_37] {strides = array<i32>} : memref<128xf32, #tpu.memory_space<vmem>>, vector<16xf32>,
    %swap3A_39 = vector.shape_cast %swap3A_38 : vector<16xf32> to vector<16xf32>
    %swap3A_40 = vector.shape_cast %broadcast_in_dim3A_6 : vector<16xf32> to vector<16xf32>
    tpu.vector_store %arg9[%swap3A_37], %swap3A_40 {strides = array<i32>} : memref<128xf32, #tpu.memory_space<vmem>>, vector<16xf32>,
    %swap3A_41 = arith.constant 96 : index
    %swap3A_42 = tpu.vector_load %arg9[%swap3A_41] {strides = array<i32>} : memref<128xf32, #tpu.memory_space<vmem>>, vector<16xf32>,
    %swap3A_43 = vector.shape_cast %swap3A_42 : vector<16xf32> to vector<16xf32>
    %swap3A_44 = vector.shape_cast %broadcast_in_dim3A_6 : vector<16xf32> to vector<16xf32>
    tpu.vector_store %arg9[%swap3A_41], %swap3A_44 {strides = array<i32>} : memref<128xf32, #tpu.memory_space<vmem>>, vector<16xf32>,
    %swap3A_45 = arith.constant 112 : index
    %swap3A_46 = tpu.vector_load %arg9[%swap3A_45] {strides = array<i32>} : memref<128xf32, #tpu.memory_space<vmem>>, vector<16xf32>,
    %swap3A_47 = vector.shape_cast %swap3A_46 : vector<16xf32> to vector<16xf32>
    %swap3A_48 = vector.shape_cast %broadcast_in_dim3A_6 : vector<16xf32> to vector<16xf32>
    tpu.vector_store %arg9[%swap3A_45], %swap3A_48 {strides = array<i32>} : memref<128xf32, #tpu.memory_space<vmem>>, vector<16xf32>,
    %mul3A_49 = arith.constant 640 : i32
    %mul3A_50 = arith.muli %arg1, %mul3A_49 : i32
    %add3A_51 = arith.constant 0 : i32
    %add3A_52 = arith.addi %mul3A_50, %add3A_51 : i32
    %run_scoped3A_53 = arith.constant 0 : i32
    "tpu.region"() ({
      %run_scoped3A_119 = tpu.sem_alloc : memref<!tpu.dma_semaphore, #tpu.memory_space<semaphore_mem>>
      %dma_start3A_120 = arith.constant 0 : i32
      %dma_start3A_121 = arith.constant 0 : i32
      %dma_start3A_122 = tpu.memref_slice %arg8[%run_scoped3A_53, %dma_start3A_120, %dma_start3A_121] : memref<2x128x128xf32, #tpu.memory_space<vmem>> -> memref<1x128x128xf32, #tpu.memory_space<vmem>>
      %dma_start3A_123 = tpu.memref_squeeze %dma_start3A_122 : memref<1x128x128xf32, #tpu.memory_space<vmem>> -> memref<128x128xf32, #tpu.memory_space<vmem>>
      %dma_start3A_124 = arith.constant 0 : i32
      %dma_start3A_125 = tpu.memref_slice %arg11[%add3A_52, %dma_start3A_124] : memref<10240x128xf32, #tpu.memory_space<vmem_shared>> -> memref<128x128xf32, #tpu.memory_space<vmem_shared>>
      %dma_start3A_126 = arith.constant 0 : i32
      %dma_start3A_127 = tpu.memref_slice %arg11[%add3A_52, %dma_start3A_126] : memref<10240x128xf32, #tpu.memory_space<vmem_shared>> -> memref<128x128xf32, #tpu.memory_space<vmem_shared>>
      %dma_start3A_128 = arith.constant 0 : i32
      %dma_start3A_129 = arith.constant 0 : i32
      %dma_start3A_130 = tpu.memref_slice %arg8[%run_scoped3A_53, %dma_start3A_128, %dma_start3A_129] : memref<2x128x128xf32, #tpu.memory_space<vmem>> -> memref<1x128x128xf32, #tpu.memory_space<vmem>>
      %dma_start3A_131 = tpu.memref_squeeze %dma_start3A_130 : memref<1x128x128xf32, #tpu.memory_space<vmem>> -> memref<128x128xf32, #tpu.memory_space<vmem>>
      tpu.enqueue_dma source(%dma_start3A_131 : memref<128x128xf32, #tpu.memory_space<vmem>>) target(%dma_start3A_127 : memref<128x128xf32, #tpu.memory_space<vmem_shared>>) target_semaphore(%run_scoped3A_119 : memref<!tpu.dma_semaphore, #tpu.memory_space<semaphore_mem>>)
      %dma_wait3A_132 = arith.constant 0 : i32
      %dma_wait3A_133 = arith.constant 0 : i32
      %dma_wait3A_134 = tpu.memref_slice %arg8[%run_scoped3A_53, %dma_wait3A_132, %dma_wait3A_133] : memref<2x128x128xf32, #tpu.memory_space<vmem>> -> memref<1x128x128xf32, #tpu.memory_space<vmem>>
      %dma_wait3A_135 = tpu.memref_squeeze %dma_wait3A_134 : memref<1x128x128xf32, #tpu.memory_space<vmem>> -> memref<128x128xf32, #tpu.memory_space<vmem>>
      %dma_wait3A_136 = arith.constant 0 : i32
      %dma_wait3A_137 = tpu.memref_slice %arg11[%add3A_52, %dma_wait3A_136] : memref<10240x128xf32, #tpu.memory_space<vmem_shared>> -> memref<128x128xf32, #tpu.memory_space<vmem_shared>>
      %dma_wait3A_138 = arith.constant 0 : i32
      %dma_wait3A_139 = tpu.memref_slice %arg11[%add3A_52, %dma_wait3A_138] : memref<10240x128xf32, #tpu.memory_space<vmem_shared>> -> memref<128x128xf32, #tpu.memory_space<vmem_shared>>
      %dma_wait3A_140 = arith.constant 0 : i32
      %dma_wait3A_141 = arith.constant 0 : i32
      %dma_wait3A_142 = tpu.memref_slice %arg8[%run_scoped3A_53, %dma_wait3A_140, %dma_wait3A_141] : memref<2x128x128xf32, #tpu.memory_space<vmem>> -> memref<1x128x128xf32, #tpu.memory_space<vmem>>
      %dma_wait3A_143 = tpu.memref_squeeze %dma_wait3A_142 : memref<1x128x128xf32, #tpu.memory_space<vmem>> -> memref<128x128xf32, #tpu.memory_space<vmem>>
      tpu.wait_dma2 semaphore(%run_scoped3A_119 : memref<!tpu.dma_semaphore, #tpu.memory_space<semaphore_mem>>) src(%dma_wait3A_143 : memref<128x128xf32, #tpu.memory_space<vmem>>) dst(%dma_wait3A_139 : memref<128x128xf32, #tpu.memory_space<vmem_shared>>)
      tpu.yield
    }) : () -> ()
    %mul3A_54 = arith.constant 640 : i32
    %mul3A_55 = arith.muli %arg1, %mul3A_54 : i32
    %add3A_56 = arith.constant 128 : i32
    %add3A_57 = arith.addi %mul3A_55, %add3A_56 : i32
    %run_scoped3A_58 = arith.constant 0 : i32
    "tpu.region"() ({
      %run_scoped3A_119 = tpu.sem_alloc : memref<!tpu.dma_semaphore, #tpu.memory_space<semaphore_mem>>
      %dma_start3A_120 = arith.constant 0 : i32
      %dma_start3A_121 = arith.constant 0 : i32
      %dma_start3A_122 = tpu.memref_slice %arg8[%run_scoped3A_58, %dma_start3A_120, %dma_start3A_121] : memref<2x128x128xf32, #tpu.memory_space<vmem>> -> memref<1x128x128xf32, #tpu.memory_space<vmem>>
      %dma_start3A_123 = tpu.memref_squeeze %dma_start3A_122 : memref<1x128x128xf32, #tpu.memory_space<vmem>> -> memref<128x128xf32, #tpu.memory_space<vmem>>
      %dma_start3A_124 = arith.constant 0 : i32
      %dma_start3A_125 = tpu.memref_slice %arg11[%add3A_57, %dma_start3A_124] : memref<10240x128xf32, #tpu.memory_space<vmem_shared>> -> memref<128x128xf32, #tpu.memory_space<vmem_shared>>
      %dma_start3A_126 = arith.constant 0 : i32
      %dma_start3A_127 = tpu.memref_slice %arg11[%add3A_57, %dma_start3A_126] : memref<10240x128xf32, #tpu.memory_space<vmem_shared>> -> memref<128x128xf32, #tpu.memory_space<vmem_shared>>
      %dma_start3A_128 = arith.constant 0 : i32
      %dma_start3A_129 = arith.constant 0 : i32
      %dma_start3A_130 = tpu.memref_slice %arg8[%run_scoped3A_58, %dma_start3A_128, %dma_start3A_129] : memref<2x128x128xf32, #tpu.memory_space<vmem>> -> memref<1x128x128xf32, #tpu.memory_space<vmem>>
      %dma_start3A_131 = tpu.memref_squeeze %dma_start3A_130 : memref<1x128x128xf32, #tpu.memory_space<vmem>> -> memref<128x128xf32, #tpu.memory_space<vmem>>
      tpu.enqueue_dma source(%dma_start3A_131 : memref<128x128xf32, #tpu.memory_space<vmem>>) target(%dma_start3A_127 : memref<128x128xf32, #tpu.memory_space<vmem_shared>>) target_semaphore(%run_scoped3A_119 : memref<!tpu.dma_semaphore, #tpu.memory_space<semaphore_mem>>)
      %dma_wait3A_132 = arith.constant 0 : i32
      %dma_wait3A_133 = arith.constant 0 : i32
      %dma_wait3A_134 = tpu.memref_slice %arg8[%run_scoped3A_58, %dma_wait3A_132, %dma_wait3A_133] : memref<2x128x128xf32, #tpu.memory_space<vmem>> -> memref<1x128x128xf32, #tpu.memory_space<vmem>>
      %dma_wait3A_135 = tpu.memref_squeeze %dma_wait3A_134 : memref<1x128x128xf32, #tpu.memory_space<vmem>> -> memref<128x128xf32, #tpu.memory_space<vmem>>
      %dma_wait3A_136 = arith.constant 0 : i32
      %dma_wait3A_137 = tpu.memref_slice %arg11[%add3A_57, %dma_wait3A_136] : memref<10240x128xf32, #tpu.memory_space<vmem_shared>> -> memref<128x128xf32, #tpu.memory_space<vmem_shared>>
      %dma_wait3A_138 = arith.constant 0 : i32
      %dma_wait3A_139 = tpu.memref_slice %arg11[%add3A_57, %dma_wait3A_138] : memref<10240x128xf32, #tpu.memory_space<vmem_shared>> -> memref<128x128xf32, #tpu.memory_space<vmem_shared>>
      %dma_wait3A_140 = arith.constant 0 : i32
      %dma_wait3A_141 = arith.constant 0 : i32
      %dma_wait3A_142 = tpu.memref_slice %arg8[%run_scoped3A_58, %dma_wait3A_140, %dma_wait3A_141] : memref<2x128x128xf32, #tpu.memory_space<vmem>> -> memref<1x128x128xf32, #tpu.memory_space<vmem>>
      %dma_wait3A_143 = tpu.memref_squeeze %dma_wait3A_142 : memref<1x128x128xf32, #tpu.memory_space<vmem>> -> memref<128x128xf32, #tpu.memory_space<vmem>>
      tpu.wait_dma2 semaphore(%run_scoped3A_119 : memref<!tpu.dma_semaphore, #tpu.memory_space<semaphore_mem>>) src(%dma_wait3A_143 : memref<128x128xf32, #tpu.memory_space<vmem>>) dst(%dma_wait3A_139 : memref<128x128xf32, #tpu.memory_space<vmem_shared>>)
      tpu.yield
    }) : () -> ()
    %mul3A_59 = arith.constant 640 : i32
    %mul3A_60 = arith.muli %arg1, %mul3A_59 : i32
    %add3A_61 = arith.constant 256 : i32
    %add3A_62 = arith.addi %mul3A_60, %add3A_61 : i32
    %run_scoped3A_63 = arith.constant 0 : i32
    "tpu.region"() ({
      %run_scoped3A_119 = tpu.sem_alloc : memref<!tpu.dma_semaphore, #tpu.memory_space<semaphore_mem>>
      %dma_start3A_120 = arith.constant 0 : i32
      %dma_start3A_121 = arith.constant 0 : i32
      %dma_start3A_122 = tpu.memref_slice %arg8[%run_scoped3A_63, %dma_start3A_120, %dma_start3A_121] : memref<2x128x128xf32, #tpu.memory_space<vmem>> -> memref<1x128x128xf32, #tpu.memory_space<vmem>>
      %dma_start3A_123 = tpu.memref_squeeze %dma_start3A_122 : memref<1x128x128xf32, #tpu.memory_space<vmem>> -> memref<128x128xf32, #tpu.memory_space<vmem>>
      %dma_start3A_124 = arith.constant 0 : i32
      %dma_start3A_125 = tpu.memref_slice %arg11[%add3A_62, %dma_start3A_124] : memref<10240x128xf32, #tpu.memory_space<vmem_shared>> -> memref<128x128xf32, #tpu.memory_space<vmem_shared>>
      %dma_start3A_126 = arith.constant 0 : i32
      %dma_start3A_127 = tpu.memref_slice %arg11[%add3A_62, %dma_start3A_126] : memref<10240x128xf32, #tpu.memory_space<vmem_shared>> -> memref<128x128xf32, #tpu.memory_space<vmem_shared>>
      %dma_start3A_128 = arith.constant 0 : i32
      %dma_start3A_129 = arith.constant 0 : i32
      %dma_start3A_130 = tpu.memref_slice %arg8[%run_scoped3A_63, %dma_start3A_128, %dma_start3A_129] : memref<2x128x128xf32, #tpu.memory_space<vmem>> -> memref<1x128x128xf32, #tpu.memory_space<vmem>>
      %dma_start3A_131 = tpu.memref_squeeze %dma_start3A_130 : memref<1x128x128xf32, #tpu.memory_space<vmem>> -> memref<128x128xf32, #tpu.memory_space<vmem>>
      tpu.enqueue_dma source(%dma_start3A_131 : memref<128x128xf32, #tpu.memory_space<vmem>>) target(%dma_start3A_127 : memref<128x128xf32, #tpu.memory_space<vmem_shared>>) target_semaphore(%run_scoped3A_119 : memref<!tpu.dma_semaphore, #tpu.memory_space<semaphore_mem>>)
      %dma_wait3A_132 = arith.constant 0 : i32
      %dma_wait3A_133 = arith.constant 0 : i32
      %dma_wait3A_134 = tpu.memref_slice %arg8[%run_scoped3A_63, %dma_wait3A_132, %dma_wait3A_133] : memref<2x128x128xf32, #tpu.memory_space<vmem>> -> memref<1x128x128xf32, #tpu.memory_space<vmem>>
      %dma_wait3A_135 = tpu.memref_squeeze %dma_wait3A_134 : memref<1x128x128xf32, #tpu.memory_space<vmem>> -> memref<128x128xf32, #tpu.memory_space<vmem>>
      %dma_wait3A_136 = arith.constant 0 : i32
      %dma_wait3A_137 = tpu.memref_slice %arg11[%add3A_62, %dma_wait3A_136] : memref<10240x128xf32, #tpu.memory_space<vmem_shared>> -> memref<128x128xf32, #tpu.memory_space<vmem_shared>>
      %dma_wait3A_138 = arith.constant 0 : i32
      %dma_wait3A_139 = tpu.memref_slice %arg11[%add3A_62, %dma_wait3A_138] : memref<10240x128xf32, #tpu.memory_space<vmem_shared>> -> memref<128x128xf32, #tpu.memory_space<vmem_shared>>
      %dma_wait3A_140 = arith.constant 0 : i32
      %dma_wait3A_141 = arith.constant 0 : i32
      %dma_wait3A_142 = tpu.memref_slice %arg8[%run_scoped3A_63, %dma_wait3A_140, %dma_wait3A_141] : memref<2x128x128xf32, #tpu.memory_space<vmem>> -> memref<1x128x128xf32, #tpu.memory_space<vmem>>
      %dma_wait3A_143 = tpu.memref_squeeze %dma_wait3A_142 : memref<1x128x128xf32, #tpu.memory_space<vmem>> -> memref<128x128xf32, #tpu.memory_space<vmem>>
      tpu.wait_dma2 semaphore(%run_scoped3A_119 : memref<!tpu.dma_semaphore, #tpu.memory_space<semaphore_mem>>) src(%dma_wait3A_143 : memref<128x128xf32, #tpu.memory_space<vmem>>) dst(%dma_wait3A_139 : memref<128x128xf32, #tpu.memory_space<vmem_shared>>)
      tpu.yield
    }) : () -> ()
    %mul3A_64 = arith.constant 640 : i32
    %mul3A_65 = arith.muli %arg1, %mul3A_64 : i32
    %add3A_66 = arith.constant 384 : i32
    %add3A_67 = arith.addi %mul3A_65, %add3A_66 : i32
    %run_scoped3A_68 = arith.constant 0 : i32
    "tpu.region"() ({
      %run_scoped3A_119 = tpu.sem_alloc : memref<!tpu.dma_semaphore, #tpu.memory_space<semaphore_mem>>
      %dma_start3A_120 = arith.constant 0 : i32
      %dma_start3A_121 = arith.constant 0 : i32
      %dma_start3A_122 = tpu.memref_slice %arg8[%run_scoped3A_68, %dma_start3A_120, %dma_start3A_121] : memref<2x128x128xf32, #tpu.memory_space<vmem>> -> memref<1x128x128xf32, #tpu.memory_space<vmem>>
      %dma_start3A_123 = tpu.memref_squeeze %dma_start3A_122 : memref<1x128x128xf32, #tpu.memory_space<vmem>> -> memref<128x128xf32, #tpu.memory_space<vmem>>
      %dma_start3A_124 = arith.constant 0 : i32
      %dma_start3A_125 = tpu.memref_slice %arg11[%add3A_67, %dma_start3A_124] : memref<10240x128xf32, #tpu.memory_space<vmem_shared>> -> memref<128x128xf32, #tpu.memory_space<vmem_shared>>
      %dma_start3A_126 = arith.constant 0 : i32
      %dma_start3A_127 = tpu.memref_slice %arg11[%add3A_67, %dma_start3A_126] : memref<10240x128xf32, #tpu.memory_space<vmem_shared>> -> memref<128x128xf32, #tpu.memory_space<vmem_shared>>
      %dma_start3A_128 = arith.constant 0 : i32
      %dma_start3A_129 = arith.constant 0 : i32
      %dma_start3A_130 = tpu.memref_slice %arg8[%run_scoped3A_68, %dma_start3A_128, %dma_start3A_129] : memref<2x128x128xf32, #tpu.memory_space<vmem>> -> memref<1x128x128xf32, #tpu.memory_space<vmem>>
      %dma_start3A_131 = tpu.memref_squeeze %dma_start3A_130 : memref<1x128x128xf32, #tpu.memory_space<vmem>> -> memref<128x128xf32, #tpu.memory_space<vmem>>
      tpu.enqueue_dma source(%dma_start3A_131 : memref<128x128xf32, #tpu.memory_space<vmem>>) target(%dma_start3A_127 : memref<128x128xf32, #tpu.memory_space<vmem_shared>>) target_semaphore(%run_scoped3A_119 : memref<!tpu.dma_semaphore, #tpu.memory_space<semaphore_mem>>)
      %dma_wait3A_132 = arith.constant 0 : i32
      %dma_wait3A_133 = arith.constant 0 : i32
      %dma_wait3A_134 = tpu.memref_slice %arg8[%run_scoped3A_68, %dma_wait3A_132, %dma_wait3A_133] : memref<2x128x128xf32, #tpu.memory_space<vmem>> -> memref<1x128x128xf32, #tpu.memory_space<vmem>>
      %dma_wait3A_135 = tpu.memref_squeeze %dma_wait3A_134 : memref<1x128x128xf32, #tpu.memory_space<vmem>> -> memref<128x128xf32, #tpu.memory_space<vmem>>
      %dma_wait3A_136 = arith.constant 0 : i32
      %dma_wait3A_137 = tpu.memref_slice %arg11[%add3A_67, %dma_wait3A_136] : memref<10240x128xf32, #tpu.memory_space<vmem_shared>> -> memref<128x128xf32, #tpu.memory_space<vmem_shared>>
      %dma_wait3A_138 = arith.constant 0 : i32
      %dma_wait3A_139 = tpu.memref_slice %arg11[%add3A_67, %dma_wait3A_138] : memref<10240x128xf32, #tpu.memory_space<vmem_shared>> -> memref<128x128xf32, #tpu.memory_space<vmem_shared>>
      %dma_wait3A_140 = arith.constant 0 : i32
      %dma_wait3A_141 = arith.constant 0 : i32
      %dma_wait3A_142 = tpu.memref_slice %arg8[%run_scoped3A_68, %dma_wait3A_140, %dma_wait3A_141] : memref<2x128x128xf32, #tpu.memory_space<vmem>> -> memref<1x128x128xf32, #tpu.memory_space<vmem>>
      %dma_wait3A_143 = tpu.memref_squeeze %dma_wait3A_142 : memref<1x128x128xf32, #tpu.memory_space<vmem>> -> memref<128x128xf32, #tpu.memory_space<vmem>>
      tpu.wait_dma2 semaphore(%run_scoped3A_119 : memref<!tpu.dma_semaphore, #tpu.memory_space<semaphore_mem>>) src(%dma_wait3A_143 : memref<128x128xf32, #tpu.memory_space<vmem>>) dst(%dma_wait3A_139 : memref<128x128xf32, #tpu.memory_space<vmem_shared>>)
      tpu.yield
    }) : () -> ()
    %mul3A_69 = arith.constant 640 : i32
    %mul3A_70 = arith.muli %arg1, %mul3A_69 : i32
    %add3A_71 = arith.constant 512 : i32
    %add3A_72 = arith.addi %mul3A_70, %add3A_71 : i32
    %run_scoped3A_73 = arith.constant 0 : i32
    "tpu.region"() ({
      %run_scoped3A_119 = tpu.sem_alloc : memref<!tpu.dma_semaphore, #tpu.memory_space<semaphore_mem>>
      %dma_start3A_120 = arith.constant 0 : i32
      %dma_start3A_121 = arith.constant 0 : i32
      %dma_start3A_122 = tpu.memref_slice %arg8[%run_scoped3A_73, %dma_start3A_120, %dma_start3A_121] : memref<2x128x128xf32, #tpu.memory_space<vmem>> -> memref<1x128x128xf32, #tpu.memory_space<vmem>>
      %dma_start3A_123 = tpu.memref_squeeze %dma_start3A_122 : memref<1x128x128xf32, #tpu.memory_space<vmem>> -> memref<128x128xf32, #tpu.memory_space<vmem>>
      %dma_start3A_124 = arith.constant 0 : i32
      %dma_start3A_125 = tpu.memref_slice %arg11[%add3A_72, %dma_start3A_124] : memref<10240x128xf32, #tpu.memory_space<vmem_shared>> -> memref<128x128xf32, #tpu.memory_space<vmem_shared>>
      %dma_start3A_126 = arith.constant 0 : i32
      %dma_start3A_127 = tpu.memref_slice %arg11[%add3A_72, %dma_start3A_126] : memref<10240x128xf32, #tpu.memory_space<vmem_shared>> -> memref<128x128xf32, #tpu.memory_space<vmem_shared>>
      %dma_start3A_128 = arith.constant 0 : i32
      %dma_start3A_129 = arith.constant 0 : i32
      %dma_start3A_130 = tpu.memref_slice %arg8[%run_scoped3A_73, %dma_start3A_128, %dma_start3A_129] : memref<2x128x128xf32, #tpu.memory_space<vmem>> -> memref<1x128x128xf32, #tpu.memory_space<vmem>>
      %dma_start3A_131 = tpu.memref_squeeze %dma_start3A_130 : memref<1x128x128xf32, #tpu.memory_space<vmem>> -> memref<128x128xf32, #tpu.memory_space<vmem>>
      tpu.enqueue_dma source(%dma_start3A_131 : memref<128x128xf32, #tpu.memory_space<vmem>>) target(%dma_start3A_127 : memref<128x128xf32, #tpu.memory_space<vmem_shared>>) target_semaphore(%run_scoped3A_119 : memref<!tpu.dma_semaphore, #tpu.memory_space<semaphore_mem>>)
      %dma_wait3A_132 = arith.constant 0 : i32
      %dma_wait3A_133 = arith.constant 0 : i32
      %dma_wait3A_134 = tpu.memref_slice %arg8[%run_scoped3A_73, %dma_wait3A_132, %dma_wait3A_133] : memref<2x128x128xf32, #tpu.memory_space<vmem>> -> memref<1x128x128xf32, #tpu.memory_space<vmem>>
      %dma_wait3A_135 = tpu.memref_squeeze %dma_wait3A_134 : memref<1x128x128xf32, #tpu.memory_space<vmem>> -> memref<128x128xf32, #tpu.memory_space<vmem>>
      %dma_wait3A_136 = arith.constant 0 : i32
      %dma_wait3A_137 = tpu.memref_slice %arg11[%add3A_72, %dma_wait3A_136] : memref<10240x128xf32, #tpu.memory_space<vmem_shared>> -> memref<128x128xf32, #tpu.memory_space<vmem_shared>>
      %dma_wait3A_138 = arith.constant 0 : i32
      %dma_wait3A_139 = tpu.memref_slice %arg11[%add3A_72, %dma_wait3A_138] : memref<10240x128xf32, #tpu.memory_space<vmem_shared>> -> memref<128x128xf32, #tpu.memory_space<vmem_shared>>
      %dma_wait3A_140 = arith.constant 0 : i32
      %dma_wait3A_141 = arith.constant 0 : i32
      %dma_wait3A_142 = tpu.memref_slice %arg8[%run_scoped3A_73, %dma_wait3A_140, %dma_wait3A_141] : memref<2x128x128xf32, #tpu.memory_space<vmem>> -> memref<1x128x128xf32, #tpu.memory_space<vmem>>
      %dma_wait3A_143 = tpu.memref_squeeze %dma_wait3A_142 : memref<1x128x128xf32, #tpu.memory_space<vmem>> -> memref<128x128xf32, #tpu.memory_space<vmem>>
      tpu.wait_dma2 semaphore(%run_scoped3A_119 : memref<!tpu.dma_semaphore, #tpu.memory_space<semaphore_mem>>) src(%dma_wait3A_143 : memref<128x128xf32, #tpu.memory_space<vmem>>) dst(%dma_wait3A_139 : memref<128x128xf32, #tpu.memory_space<vmem_shared>>)
      tpu.yield
    }) : () -> ()
    %mul3A_74 = arith.constant 640 : i32
    %mul3A_75 = arith.muli %arg1, %mul3A_74 : i32
    "tpu.region"() ({
      %run_scoped3A_119 = tpu.sem_alloc : memref<!tpu.dma_semaphore, #tpu.memory_space<semaphore_mem>>
      %dma_start3A_120 = arith.constant 0 : i32
      %dma_start3A_121 = tpu.memref_slice %arg10[%dma_start3A_120] : memref<640xf32, #tpu.memory_space<vmem>> -> memref<640xf32, #tpu.memory_space<vmem>>
      %dma_start3A_122 = tpu.memref_slice %arg12[%mul3A_75] : memref<10240xf32, #tpu.memory_space<vmem_shared>> -> memref<640xf32, #tpu.memory_space<vmem_shared>>
      %dma_start3A_123 = tpu.memref_slice %arg12[%mul3A_75] : memref<10240xf32, #tpu.memory_space<vmem_shared>> -> memref<640xf32, #tpu.memory_space<vmem_shared>>
      %dma_start3A_124 = arith.constant 0 : i32
      %dma_start3A_125 = tpu.memref_slice %arg10[%dma_start3A_124] : memref<640xf32, #tpu.memory_space<vmem>> -> memref<640xf32, #tpu.memory_space<vmem>>
      tpu.enqueue_dma source(%dma_start3A_125 : memref<640xf32, #tpu.memory_space<vmem>>) target(%dma_start3A_123 : memref<640xf32, #tpu.memory_space<vmem_shared>>) target_semaphore(%run_scoped3A_119 : memref<!tpu.dma_semaphore, #tpu.memory_space<semaphore_mem>>)
      %dma_wait3A_126 = arith.constant 0 : i32
      %dma_wait3A_127 = tpu.memref_slice %arg10[%dma_wait3A_126] : memref<640xf32, #tpu.memory_space<vmem>> -> memref<640xf32, #tpu.memory_space<vmem>>
      %dma_wait3A_128 = tpu.memref_slice %arg12[%mul3A_75] : memref<10240xf32, #tpu.memory_space<vmem_shared>> -> memref<640xf32, #tpu.memory_space<vmem_shared>>
      %dma_wait3A_129 = tpu.memref_slice %arg12[%mul3A_75] : memref<10240xf32, #tpu.memory_space<vmem_shared>> -> memref<640xf32, #tpu.memory_space<vmem_shared>>
      %dma_wait3A_130 = arith.constant 0 : i32
      %dma_wait3A_131 = tpu.memref_slice %arg10[%dma_wait3A_130] : memref<640xf32, #tpu.memory_space<vmem>> -> memref<640xf32, #tpu.memory_space<vmem>>
      tpu.wait_dma2 semaphore(%run_scoped3A_119 : memref<!tpu.dma_semaphore, #tpu.memory_space<semaphore_mem>>) src(%dma_wait3A_131 : memref<640xf32, #tpu.memory_space<vmem>>) dst(%dma_wait3A_129 : memref<640xf32, #tpu.memory_space<vmem_shared>>)
      tpu.yield
    }) : () -> ()
    %barrier3A = arith.constant 0 : index
    tpu.barrier barrier_id(%barrier3A)
    %dma_start3A = arith.constant 0 : i32
    %dma_start3A_76 = arith.constant 0 : i32
    %dma_start3A_77 = arith.constant 0 : i32
    %dma_start3A_78 = arith.constant 0 : i32
    %dma_start3A_79 = tpu.memref_slice %arg8[%dma_start3A_76, %dma_start3A_77, %dma_start3A_78] : memref<2x128x128xf32, #tpu.memory_space<vmem>> -> memref<1x128x128xf32, #tpu.memory_space<vmem>>
    %dma_start3A_80 = tpu.memref_squeeze %dma_start3A_79 : memref<1x128x128xf32, #tpu.memory_space<vmem>> -> memref<128x128xf32, #tpu.memory_space<vmem>>
    %dma_start3A_81 = arith.constant 0 : i32
    %dma_start3A_82 = tpu.memref_slice %arg6[%dma_start3A, %dma_start3A_81] : memref<40x128xi32, #tpu.memory_space<vmem>> -> memref<1x128xi32, #tpu.memory_space<vmem>>
    %dma_start3A_83 = tpu.memref_squeeze %dma_start3A_82 : memref<1x128xi32, #tpu.memory_space<vmem>> -> memref<128xi32, #tpu.memory_space<vmem>>
    %dma_start3A_84 = arith.constant 0 : i32
    %dma_start3A_85 = arith.constant 0 : i32
    %dma_start3A_86 = tpu.memref_slice %arg2[%dma_start3A_84, %dma_start3A_85] : memref<10000x128xf32, #tpu.memory_space<hbm>> -> memref<10000x128xf32, #tpu.memory_space<hbm>>
    tpu.enqueue_indirect_dma source(%dma_start3A_86 : memref<10000x128xf32, #tpu.memory_space<hbm>>) target(%dma_start3A_80 : memref<128x128xf32, #tpu.memory_space<vmem>>) offsets(%dma_start3A_83 : memref<128xi32, #tpu.memory_space<vmem>>) semaphore(%arg13 : memref<!tpu.dma_semaphore, #tpu.memory_space<semaphore_mem>>)
    %dma_start3A_87 = arith.constant 1 : i32
    %dma_start3A_88 = arith.constant 1 : i32
    %dma_start3A_89 = arith.constant 0 : i32
    %dma_start3A_90 = arith.constant 0 : i32
    %dma_start3A_91 = tpu.memref_slice %arg8[%dma_start3A_88, %dma_start3A_89, %dma_start3A_90] : memref<2x128x128xf32, #tpu.memory_space<vmem>> -> memref<1x128x128xf32, #tpu.memory_space<vmem>>
    %dma_start3A_92 = tpu.memref_squeeze %dma_start3A_91 : memref<1x128x128xf32, #tpu.memory_space<vmem>> -> memref<128x128xf32, #tpu.memory_space<vmem>>
    %dma_start3A_93 = arith.constant 0 : i32
    %dma_start3A_94 = tpu.memref_slice %arg6[%dma_start3A_87, %dma_start3A_93] : memref<40x128xi32, #tpu.memory_space<vmem>> -> memref<1x128xi32, #tpu.memory_space<vmem>>
    %dma_start3A_95 = tpu.memref_squeeze %dma_start3A_94 : memref<1x128xi32, #tpu.memory_space<vmem>> -> memref<128xi32, #tpu.memory_space<vmem>>
    %dma_start3A_96 = arith.constant 0 : i32
    %dma_start3A_97 = arith.constant 0 : i32
    %dma_start3A_98 = tpu.memref_slice %arg2[%dma_start3A_96, %dma_start3A_97] : memref<10000x128xf32, #tpu.memory_space<hbm>> -> memref<10000x128xf32, #tpu.memory_space<hbm>>
    tpu.enqueue_indirect_dma source(%dma_start3A_98 : memref<10000x128xf32, #tpu.memory_space<hbm>>) target(%dma_start3A_92 : memref<128x128xf32, #tpu.memory_space<vmem>>) offsets(%dma_start3A_95 : memref<128xi32, #tpu.memory_space<vmem>>) semaphore(%arg14 : memref<!tpu.dma_semaphore, #tpu.memory_space<semaphore_mem>>)
    %scan3A_99 = arith.constant 0 : i32
    %scan3A_100 = arith.constant 0 : i32
    %scan3A_101 = arith.constant 20 : i32
    %scan3A_102 = arith.addi %scan3A_100, %scan3A_101 : i32
    %scan3A_103 = arith.constant 1 : i32
    scf.for %scan3A_119 = %scan3A_100 to %scan3A_102 step %scan3A_103  : i32 {
      %mul3A_120 = arith.constant 2 : i32
      %mul3A_121 = arith.muli %scan3A_119, %mul3A_120 : i32
      %add3A_122 = arith.constant 0 : i32
      %add3A_123 = arith.addi %mul3A_121, %add3A_122 : i32
      %dma_wait3A_124 = arith.constant 0 : i32
      %dma_wait3A_125 = arith.constant 0 : i32
      %dma_wait3A_126 = arith.constant 0 : i32
      %dma_wait3A_127 = tpu.memref_slice %arg8[%dma_wait3A_124, %dma_wait3A_125, %dma_wait3A_126] : memref<2x128x128xf32, #tpu.memory_space<vmem>> -> memref<1x128x128xf32, #tpu.memory_space<vmem>>
      %dma_wait3A_128 = tpu.memref_squeeze %dma_wait3A_127 : memref<1x128x128xf32, #tpu.memory_space<vmem>> -> memref<128x128xf32, #tpu.memory_space<vmem>>
      %dma_wait3A_129 = arith.constant 0 : i32
      %dma_wait3A_130 = tpu.memref_slice %arg6[%add3A_123, %dma_wait3A_129] : memref<40x128xi32, #tpu.memory_space<vmem>> -> memref<1x128xi32, #tpu.memory_space<vmem>>
      %dma_wait3A_131 = tpu.memref_squeeze %dma_wait3A_130 : memref<1x128xi32, #tpu.memory_space<vmem>> -> memref<128xi32, #tpu.memory_space<vmem>>
      %dma_wait3A_132 = arith.constant 0 : i32
      %dma_wait3A_133 = arith.constant 0 : i32
      %dma_wait3A_134 = tpu.memref_slice %arg2[%dma_wait3A_132, %dma_wait3A_133] : memref<10000x128xf32, #tpu.memory_space<hbm>> -> memref<10000x128xf32, #tpu.memory_space<hbm>>
      tpu.wait_indirect_dma semaphore(%arg13 : memref<!tpu.dma_semaphore, #tpu.memory_space<semaphore_mem>>) src(%dma_wait3A_134 : memref<10000x128xf32, #tpu.memory_space<hbm>>) dst(%dma_wait3A_128 : memref<128x128xf32, #tpu.memory_space<vmem>>)
      %dma_start3A_135 = arith.constant 0 : i32
      %dma_start3A_136 = arith.constant 0 : i32
      %dma_start3A_137 = arith.constant 0 : i32
      %dma_start3A_138 = tpu.memref_slice %arg8[%dma_start3A_135, %dma_start3A_136, %dma_start3A_137] : memref<2x128x128xf32, #tpu.memory_space<vmem>> -> memref<1x128x128xf32, #tpu.memory_space<vmem>>
      %dma_start3A_139 = tpu.memref_squeeze %dma_start3A_138 : memref<1x128x128xf32, #tpu.memory_space<vmem>> -> memref<128x128xf32, #tpu.memory_space<vmem>>
      %dma_start3A_140 = arith.constant 0 : i32
      %dma_start3A_141 = tpu.memref_slice %arg7[%add3A_123, %dma_start3A_140] : memref<40x128xi32, #tpu.memory_space<vmem>> -> memref<1x128xi32, #tpu.memory_space<vmem>>
      %dma_start3A_142 = tpu.memref_squeeze %dma_start3A_141 : memref<1x128xi32, #tpu.memory_space<vmem>> -> memref<128xi32, #tpu.memory_space<vmem>>
      %dma_start3A_143 = arith.constant 0 : i32
      %dma_start3A_144 = arith.constant 0 : i32
      %dma_start3A_145 = tpu.memref_slice %arg11[%dma_start3A_143, %dma_start3A_144] : memref<10240x128xf32, #tpu.memory_space<vmem_shared>> -> memref<10240x128xf32, #tpu.memory_space<vmem_shared>>
      tpu.enqueue_indirect_dma source(%dma_start3A_139 : memref<128x128xf32, #tpu.memory_space<vmem>>) target(%dma_start3A_145 : memref<10240x128xf32, #tpu.memory_space<vmem_shared>>) offsets(%dma_start3A_142 : memref<128xi32, #tpu.memory_space<vmem>>) semaphore(%arg15 : memref<!tpu.dma_semaphore, #tpu.memory_space<semaphore_mem>>) {add = true}
      %gt3A = arith.constant 0 : i32
      %gt3A_146 = arith.cmpi sgt, %add3A_123, %gt3A : i32
      %convert_element_type3A = arith.extui %gt3A_146 : i1 to i32
      %cond3A = arith.constant 0 : i32
      %cond3A_147 = arith.cmpi ne, %convert_element_type3A, %cond3A : i32
      scf.if %cond3A_147 {
        %dma_wait3A_224 = arith.constant 0 : i32
        %dma_wait3A_225 = tpu.memref_slice %arg7[%add3A_123, %dma_wait3A_224] : memref<40x128xi32, #tpu.memory_space<vmem>> -> memref<1x128xi32, #tpu.memory_space<vmem>>
        %dma_wait3A_226 = tpu.memref_squeeze %dma_wait3A_225 : memref<1x128xi32, #tpu.memory_space<vmem>> -> memref<128xi32, #tpu.memory_space<vmem>>
        %dma_wait3A_227 = arith.constant 0 : i32
        %dma_wait3A_228 = tpu.memref_slice %arg12[%dma_wait3A_227] : memref<10240xf32, #tpu.memory_space<vmem_shared>> -> memref<10240xf32, #tpu.memory_space<vmem_shared>>
        tpu.wait_indirect_dma semaphore(%arg16 : memref<!tpu.dma_semaphore, #tpu.memory_space<semaphore_mem>>) src(%arg9 : memref<128xf32, #tpu.memory_space<vmem>>) dst(%dma_wait3A_228 : memref<10240xf32, #tpu.memory_space<vmem_shared>>)
      } else {
      }
      %dma_start3A_148 = arith.constant 0 : i32
      %dma_start3A_149 = tpu.memref_slice %arg7[%add3A_123, %dma_start3A_148] : memref<40x128xi32, #tpu.memory_space<vmem>> -> memref<1x128xi32, #tpu.memory_space<vmem>>
      %dma_start3A_150 = tpu.memref_squeeze %dma_start3A_149 : memref<1x128xi32, #tpu.memory_space<vmem>> -> memref<128xi32, #tpu.memory_space<vmem>>
      %dma_start3A_151 = arith.constant 0 : i32
      %dma_start3A_152 = tpu.memref_slice %arg12[%dma_start3A_151] : memref<10240xf32, #tpu.memory_space<vmem_shared>> -> memref<10240xf32, #tpu.memory_space<vmem_shared>>
      tpu.enqueue_indirect_dma source(%arg9 : memref<128xf32, #tpu.memory_space<vmem>>) target(%dma_start3A_152 : memref<10240xf32, #tpu.memory_space<vmem_shared>>) offsets(%dma_start3A_150 : memref<128xi32, #tpu.memory_space<vmem>>) semaphore(%arg16 : memref<!tpu.dma_semaphore, #tpu.memory_space<semaphore_mem>>) {add = true}
      %dma_wait3A_153 = arith.constant 0 : i32
      %dma_wait3A_154 = arith.constant 0 : i32
      %dma_wait3A_155 = arith.constant 0 : i32
      %dma_wait3A_156 = tpu.memref_slice %arg8[%dma_wait3A_153, %dma_wait3A_154, %dma_wait3A_155] : memref<2x128x128xf32, #tpu.memory_space<vmem>> -> memref<1x128x128xf32, #tpu.memory_space<vmem>>
      %dma_wait3A_157 = tpu.memref_squeeze %dma_wait3A_156 : memref<1x128x128xf32, #tpu.memory_space<vmem>> -> memref<128x128xf32, #tpu.memory_space<vmem>>
      %dma_wait3A_158 = arith.constant 0 : i32
      %dma_wait3A_159 = tpu.memref_slice %arg7[%add3A_123, %dma_wait3A_158] : memref<40x128xi32, #tpu.memory_space<vmem>> -> memref<1x128xi32, #tpu.memory_space<vmem>>
      %dma_wait3A_160 = tpu.memref_squeeze %dma_wait3A_159 : memref<1x128xi32, #tpu.memory_space<vmem>> -> memref<128xi32, #tpu.memory_space<vmem>>
      %dma_wait3A_161 = arith.constant 0 : i32
      %dma_wait3A_162 = arith.constant 0 : i32
      %dma_wait3A_163 = tpu.memref_slice %arg11[%dma_wait3A_161, %dma_wait3A_162] : memref<10240x128xf32, #tpu.memory_space<vmem_shared>> -> memref<10240x128xf32, #tpu.memory_space<vmem_shared>>
      tpu.wait_indirect_dma semaphore(%arg15 : memref<!tpu.dma_semaphore, #tpu.memory_space<semaphore_mem>>) src(%dma_wait3A_157 : memref<128x128xf32, #tpu.memory_space<vmem>>) dst(%dma_wait3A_163 : memref<10240x128xf32, #tpu.memory_space<vmem_shared>>)
      %add3A_164 = arith.constant 2 : i32
      %add3A_165 = arith.addi %add3A_123, %add3A_164 : i32
      %lt3A = arith.constant 40 : i32
      %lt3A_166 = arith.cmpi slt, %add3A_165, %lt3A : i32
      %convert_element_type3A_167 = arith.extui %lt3A_166 : i1 to i32
      %cond3A_168 = arith.constant 0 : i32
      %cond3A_169 = arith.cmpi ne, %convert_element_type3A_167, %cond3A_168 : i32
      scf.if %cond3A_169 {
        %add3A_224 = arith.constant 2 : i32
        %add3A_225 = arith.addi %add3A_123, %add3A_224 : i32
        %dma_start3A_226 = arith.constant 0 : i32
        %dma_start3A_227 = arith.constant 0 : i32
        %dma_start3A_228 = arith.constant 0 : i32
        %dma_start3A_229 = tpu.memref_slice %arg8[%dma_start3A_226, %dma_start3A_227, %dma_start3A_228] : memref<2x128x128xf32, #tpu.memory_space<vmem>> -> memref<1x128x128xf32, #tpu.memory_space<vmem>>
        %dma_start3A_230 = tpu.memref_squeeze %dma_start3A_229 : memref<1x128x128xf32, #tpu.memory_space<vmem>> -> memref<128x128xf32, #tpu.memory_space<vmem>>
        %dma_start3A_231 = arith.constant 0 : i32
        %dma_start3A_232 = tpu.memref_slice %arg6[%add3A_225, %dma_start3A_231] : memref<40x128xi32, #tpu.memory_space<vmem>> -> memref<1x128xi32, #tpu.memory_space<vmem>>
        %dma_start3A_233 = tpu.memref_squeeze %dma_start3A_232 : memref<1x128xi32, #tpu.memory_space<vmem>> -> memref<128xi32, #tpu.memory_space<vmem>>
        %dma_start3A_234 = arith.constant 0 : i32
        %dma_start3A_235 = arith.constant 0 : i32
        %dma_start3A_236 = tpu.memref_slice %arg2[%dma_start3A_234, %dma_start3A_235] : memref<10000x128xf32, #tpu.memory_space<hbm>> -> memref<10000x128xf32, #tpu.memory_space<hbm>>
        tpu.enqueue_indirect_dma source(%dma_start3A_236 : memref<10000x128xf32, #tpu.memory_space<hbm>>) target(%dma_start3A_230 : memref<128x128xf32, #tpu.memory_space<vmem>>) offsets(%dma_start3A_233 : memref<128xi32, #tpu.memory_space<vmem>>) semaphore(%arg13 : memref<!tpu.dma_semaphore, #tpu.memory_space<semaphore_mem>>)
      } else {
      }
      %mul3A_170 = arith.constant 2 : i32
      %mul3A_171 = arith.muli %scan3A_119, %mul3A_170 : i32
      %add3A_172 = arith.constant 1 : i32
      %add3A_173 = arith.addi %mul3A_171, %add3A_172 : i32
      %dma_wait3A_174 = arith.constant 1 : i32
      %dma_wait3A_175 = arith.constant 0 : i32
      %dma_wait3A_176 = arith.constant 0 : i32
      %dma_wait3A_177 = tpu.memref_slice %arg8[%dma_wait3A_174, %dma_wait3A_175, %dma_wait3A_176] : memref<2x128x128xf32, #tpu.memory_space<vmem>> -> memref<1x128x128xf32, #tpu.memory_space<vmem>>
      %dma_wait3A_178 = tpu.memref_squeeze %dma_wait3A_177 : memref<1x128x128xf32, #tpu.memory_space<vmem>> -> memref<128x128xf32, #tpu.memory_space<vmem>>
      %dma_wait3A_179 = arith.constant 0 : i32
      %dma_wait3A_180 = tpu.memref_slice %arg6[%add3A_173, %dma_wait3A_179] : memref<40x128xi32, #tpu.memory_space<vmem>> -> memref<1x128xi32, #tpu.memory_space<vmem>>
      %dma_wait3A_181 = tpu.memref_squeeze %dma_wait3A_180 : memref<1x128xi32, #tpu.memory_space<vmem>> -> memref<128xi32, #tpu.memory_space<vmem>>
      %dma_wait3A_182 = arith.constant 0 : i32
      %dma_wait3A_183 = arith.constant 0 : i32
      %dma_wait3A_184 = tpu.memref_slice %arg2[%dma_wait3A_182, %dma_wait3A_183] : memref<10000x128xf32, #tpu.memory_space<hbm>> -> memref<10000x128xf32, #tpu.memory_space<hbm>>
      tpu.wait_indirect_dma semaphore(%arg14 : memref<!tpu.dma_semaphore, #tpu.memory_space<semaphore_mem>>) src(%dma_wait3A_184 : memref<10000x128xf32, #tpu.memory_space<hbm>>) dst(%dma_wait3A_178 : memref<128x128xf32, #tpu.memory_space<vmem>>)
      %dma_start3A_185 = arith.constant 1 : i32
      %dma_start3A_186 = arith.constant 0 : i32
      %dma_start3A_187 = arith.constant 0 : i32
      %dma_start3A_188 = tpu.memref_slice %arg8[%dma_start3A_185, %dma_start3A_186, %dma_start3A_187] : memref<2x128x128xf32, #tpu.memory_space<vmem>> -> memref<1x128x128xf32, #tpu.memory_space<vmem>>
      %dma_start3A_189 = tpu.memref_squeeze %dma_start3A_188 : memref<1x128x128xf32, #tpu.memory_space<vmem>> -> memref<128x128xf32, #tpu.memory_space<vmem>>
      %dma_start3A_190 = arith.constant 0 : i32
      %dma_start3A_191 = tpu.memref_slice %arg7[%add3A_173, %dma_start3A_190] : memref<40x128xi32, #tpu.memory_space<vmem>> -> memref<1x128xi32, #tpu.memory_space<vmem>>
      %dma_start3A_192 = tpu.memref_squeeze %dma_start3A_191 : memref<1x128xi32, #tpu.memory_space<vmem>> -> memref<128xi32, #tpu.memory_space<vmem>>
      %dma_start3A_193 = arith.constant 0 : i32
      %dma_start3A_194 = arith.constant 0 : i32
      %dma_start3A_195 = tpu.memref_slice %arg11[%dma_start3A_193, %dma_start3A_194] : memref<10240x128xf32, #tpu.memory_space<vmem_shared>> -> memref<10240x128xf32, #tpu.memory_space<vmem_shared>>
      tpu.enqueue_indirect_dma source(%dma_start3A_189 : memref<128x128xf32, #tpu.memory_space<vmem>>) target(%dma_start3A_195 : memref<10240x128xf32, #tpu.memory_space<vmem_shared>>) offsets(%dma_start3A_192 : memref<128xi32, #tpu.memory_space<vmem>>) semaphore(%arg15 : memref<!tpu.dma_semaphore, #tpu.memory_space<semaphore_mem>>) {add = true}
      %gt3A_196 = arith.constant 0 : i32
      %gt3A_197 = arith.cmpi sgt, %add3A_173, %gt3A_196 : i32
      %convert_element_type3A_198 = arith.extui %gt3A_197 : i1 to i32
      %cond3A_199 = arith.constant 0 : i32
      %cond3A_200 = arith.cmpi ne, %convert_element_type3A_198, %cond3A_199 : i32
      scf.if %cond3A_200 {
        %dma_wait3A_224 = arith.constant 0 : i32
        %dma_wait3A_225 = tpu.memref_slice %arg7[%add3A_173, %dma_wait3A_224] : memref<40x128xi32, #tpu.memory_space<vmem>> -> memref<1x128xi32, #tpu.memory_space<vmem>>
        %dma_wait3A_226 = tpu.memref_squeeze %dma_wait3A_225 : memref<1x128xi32, #tpu.memory_space<vmem>> -> memref<128xi32, #tpu.memory_space<vmem>>
        %dma_wait3A_227 = arith.constant 0 : i32
        %dma_wait3A_228 = tpu.memref_slice %arg12[%dma_wait3A_227] : memref<10240xf32, #tpu.memory_space<vmem_shared>> -> memref<10240xf32, #tpu.memory_space<vmem_shared>>
        tpu.wait_indirect_dma semaphore(%arg16 : memref<!tpu.dma_semaphore, #tpu.memory_space<semaphore_mem>>) src(%arg9 : memref<128xf32, #tpu.memory_space<vmem>>) dst(%dma_wait3A_228 : memref<10240xf32, #tpu.memory_space<vmem_shared>>)
      } else {
      }
      %dma_start3A_201 = arith.constant 0 : i32
      %dma_start3A_202 = tpu.memref_slice %arg7[%add3A_173, %dma_start3A_201] : memref<40x128xi32, #tpu.memory_space<vmem>> -> memref<1x128xi32, #tpu.memory_space<vmem>>
      %dma_start3A_203 = tpu.memref_squeeze %dma_start3A_202 : memref<1x128xi32, #tpu.memory_space<vmem>> -> memref<128xi32, #tpu.memory_space<vmem>>
      %dma_start3A_204 = arith.constant 0 : i32
      %dma_start3A_205 = tpu.memref_slice %arg12[%dma_start3A_204] : memref<10240xf32, #tpu.memory_space<vmem_shared>> -> memref<10240xf32, #tpu.memory_space<vmem_shared>>
      tpu.enqueue_indirect_dma source(%arg9 : memref<128xf32, #tpu.memory_space<vmem>>) target(%dma_start3A_205 : memref<10240xf32, #tpu.memory_space<vmem_shared>>) offsets(%dma_start3A_203 : memref<128xi32, #tpu.memory_space<vmem>>) semaphore(%arg16 : memref<!tpu.dma_semaphore, #tpu.memory_space<semaphore_mem>>) {add = true}
      %dma_wait3A_206 = arith.constant 1 : i32
      %dma_wait3A_207 = arith.constant 0 : i32
      %dma_wait3A_208 = arith.constant 0 : i32
      %dma_wait3A_209 = tpu.memref_slice %arg8[%dma_wait3A_206, %dma_wait3A_207, %dma_wait3A_208] : memref<2x128x128xf32, #tpu.memory_space<vmem>> -> memref<1x128x128xf32, #tpu.memory_space<vmem>>
      %dma_wait3A_210 = tpu.memref_squeeze %dma_wait3A_209 : memref<1x128x128xf32, #tpu.memory_space<vmem>> -> memref<128x128xf32, #tpu.memory_space<vmem>>
      %dma_wait3A_211 = arith.constant 0 : i32
      %dma_wait3A_212 = tpu.memref_slice %arg7[%add3A_173, %dma_wait3A_211] : memref<40x128xi32, #tpu.memory_space<vmem>> -> memref<1x128xi32, #tpu.memory_space<vmem>>
      %dma_wait3A_213 = tpu.memref_squeeze %dma_wait3A_212 : memref<1x128xi32, #tpu.memory_space<vmem>> -> memref<128xi32, #tpu.memory_space<vmem>>
      %dma_wait3A_214 = arith.constant 0 : i32
      %dma_wait3A_215 = arith.constant 0 : i32
      %dma_wait3A_216 = tpu.memref_slice %arg11[%dma_wait3A_214, %dma_wait3A_215] : memref<10240x128xf32, #tpu.memory_space<vmem_shared>> -> memref<10240x128xf32, #tpu.memory_space<vmem_shared>>
      tpu.wait_indirect_dma semaphore(%arg15 : memref<!tpu.dma_semaphore, #tpu.memory_space<semaphore_mem>>) src(%dma_wait3A_210 : memref<128x128xf32, #tpu.memory_space<vmem>>) dst(%dma_wait3A_216 : memref<10240x128xf32, #tpu.memory_space<vmem_shared>>)
      %add3A_217 = arith.constant 2 : i32
      %add3A_218 = arith.addi %add3A_173, %add3A_217 : i32
      %lt3A_219 = arith.constant 40 : i32
      %lt3A_220 = arith.cmpi slt, %add3A_218, %lt3A_219 : i32
      %convert_element_type3A_221 = arith.extui %lt3A_220 : i1 to i32
      %cond3A_222 = arith.constant 0 : i32
      %cond3A_223 = arith.cmpi ne, %convert_element_type3A_221, %cond3A_222 : i32
      scf.if %cond3A_223 {
        %add3A_224 = arith.constant 2 : i32
        %add3A_225 = arith.addi %add3A_173, %add3A_224 : i32
        %dma_start3A_226 = arith.constant 1 : i32
        %dma_start3A_227 = arith.constant 0 : i32
        %dma_start3A_228 = arith.constant 0 : i32
        %dma_start3A_229 = tpu.memref_slice %arg8[%dma_start3A_226, %dma_start3A_227, %dma_start3A_228] : memref<2x128x128xf32, #tpu.memory_space<vmem>> -> memref<1x128x128xf32, #tpu.memory_space<vmem>>
        %dma_start3A_230 = tpu.memref_squeeze %dma_start3A_229 : memref<1x128x128xf32, #tpu.memory_space<vmem>> -> memref<128x128xf32, #tpu.memory_space<vmem>>
        %dma_start3A_231 = arith.constant 0 : i32
        %dma_start3A_232 = tpu.memref_slice %arg6[%add3A_225, %dma_start3A_231] : memref<40x128xi32, #tpu.memory_space<vmem>> -> memref<1x128xi32, #tpu.memory_space<vmem>>
        %dma_start3A_233 = tpu.memref_squeeze %dma_start3A_232 : memref<1x128xi32, #tpu.memory_space<vmem>> -> memref<128xi32, #tpu.memory_space<vmem>>
        %dma_start3A_234 = arith.constant 0 : i32
        %dma_start3A_235 = arith.constant 0 : i32
        %dma_start3A_236 = tpu.memref_slice %arg2[%dma_start3A_234, %dma_start3A_235] : memref<10000x128xf32, #tpu.memory_space<hbm>> -> memref<10000x128xf32, #tpu.memory_space<hbm>>
        tpu.enqueue_indirect_dma source(%dma_start3A_236 : memref<10000x128xf32, #tpu.memory_space<hbm>>) target(%dma_start3A_230 : memref<128x128xf32, #tpu.memory_space<vmem>>) offsets(%dma_start3A_233 : memref<128xi32, #tpu.memory_space<vmem>>) semaphore(%arg14 : memref<!tpu.dma_semaphore, #tpu.memory_space<semaphore_mem>>)
      } else {
      }
    }
    %scan3A_104 = arith.constant 20 : i32
    %dma_wait3A = arith.constant 0 : i32
    %dma_wait3A_105 = arith.constant 0 : i32
    %dma_wait3A_106 = tpu.memref_slice %arg7[%dma_wait3A, %dma_wait3A_105] : memref<40x128xi32, #tpu.memory_space<vmem>> -> memref<1x128xi32, #tpu.memory_space<vmem>>
    %dma_wait3A_107 = tpu.memref_squeeze %dma_wait3A_106 : memref<1x128xi32, #tpu.memory_space<vmem>> -> memref<128xi32, #tpu.memory_space<vmem>>
    %dma_wait3A_108 = arith.constant 0 : i32
    %dma_wait3A_109 = tpu.memref_slice %arg12[%dma_wait3A_108] : memref<10240xf32, #tpu.memory_space<vmem_shared>> -> memref<10240xf32, #tpu.memory_space<vmem_shared>>
    tpu.wait_indirect_dma semaphore(%arg16 : memref<!tpu.dma_semaphore, #tpu.memory_space<semaphore_mem>>) src(%arg9 : memref<128xf32, #tpu.memory_space<vmem>>) dst(%dma_wait3A_109 : memref<10240xf32, #tpu.memory_space<vmem_shared>>)
    %barrier3A_110 = arith.constant 0 : index
    tpu.barrier barrier_id(%barrier3A_110)
    %mul3A_111 = arith.constant 640 : i32
    %mul3A_112 = arith.muli %arg1, %mul3A_111 : i32
    %mul3A_113 = arith.constant 640 : i32
    %mul3A_114 = arith.muli %arg1, %mul3A_113 : i32
    "tpu.region"() ({
      %run_scoped3A_119 = tpu.sem_alloc : memref<!tpu.dma_semaphore, #tpu.memory_space<semaphore_mem>>
      %dma_start3A_120 = arith.constant 0 : i32
      %dma_start3A_121 = tpu.memref_slice %arg4[%arg0, %mul3A_114, %dma_start3A_120] : memref<2x10240x128xf32, #tpu.memory_space<hbm>> -> memref<1x640x128xf32, #tpu.memory_space<hbm>>
      %dma_start3A_122 = tpu.memref_squeeze %dma_start3A_121 : memref<1x640x128xf32, #tpu.memory_space<hbm>> -> memref<640x128xf32, #tpu.memory_space<hbm>>
      %dma_start3A_123 = arith.constant 0 : i32
      %dma_start3A_124 = tpu.memref_slice %arg11[%mul3A_112, %dma_start3A_123] : memref<10240x128xf32, #tpu.memory_space<vmem_shared>> -> memref<640x128xf32, #tpu.memory_space<vmem_shared>>
      tpu.enqueue_dma source(%dma_start3A_124 : memref<640x128xf32, #tpu.memory_space<vmem_shared>>) target(%dma_start3A_122 : memref<640x128xf32, #tpu.memory_space<hbm>>) target_semaphore(%run_scoped3A_119 : memref<!tpu.dma_semaphore, #tpu.memory_space<semaphore_mem>>)
      %dma_wait3A_125 = arith.constant 0 : i32
      %dma_wait3A_126 = tpu.memref_slice %arg4[%arg0, %mul3A_114, %dma_wait3A_125] : memref<2x10240x128xf32, #tpu.memory_space<hbm>> -> memref<1x640x128xf32, #tpu.memory_space<hbm>>
      %dma_wait3A_127 = tpu.memref_squeeze %dma_wait3A_126 : memref<1x640x128xf32, #tpu.memory_space<hbm>> -> memref<640x128xf32, #tpu.memory_space<hbm>>
      %dma_wait3A_128 = arith.constant 0 : i32
      %dma_wait3A_129 = tpu.memref_slice %arg11[%mul3A_112, %dma_wait3A_128] : memref<10240x128xf32, #tpu.memory_space<vmem_shared>> -> memref<640x128xf32, #tpu.memory_space<vmem_shared>>
      tpu.wait_dma2 semaphore(%run_scoped3A_119 : memref<!tpu.dma_semaphore, #tpu.memory_space<semaphore_mem>>) src(%dma_wait3A_129 : memref<640x128xf32, #tpu.memory_space<vmem_shared>>) dst(%dma_wait3A_127 : memref<640x128xf32, #tpu.memory_space<hbm>>)
      tpu.yield
    }) : () -> ()
    %mul3A_115 = arith.constant 640 : i32
    %mul3A_116 = arith.muli %arg1, %mul3A_115 : i32
    %mul3A_117 = arith.constant 640 : i32
    %mul3A_118 = arith.muli %arg1, %mul3A_117 : i32
    "tpu.region"() ({
      %run_scoped3A_119 = tpu.sem_alloc : memref<!tpu.dma_semaphore, #tpu.memory_space<semaphore_mem>>
      %dma_start3A_120 = tpu.memref_slice %arg5[%arg0, %mul3A_118] : memref<2x10240xf32, #tpu.memory_space<hbm>> -> memref<1x640xf32, #tpu.memory_space<hbm>>
      %dma_start3A_121 = tpu.memref_squeeze %dma_start3A_120 : memref<1x640xf32, #tpu.memory_space<hbm>> -> memref<640xf32, #tpu.memory_space<hbm>>
      %dma_start3A_122 = tpu.memref_slice %arg12[%mul3A_116] : memref<10240xf32, #tpu.memory_space<vmem_shared>> -> memref<640xf32, #tpu.memory_space<vmem_shared>>
      tpu.enqueue_dma source(%dma_start3A_122 : memref<640xf32, #tpu.memory_space<vmem_shared>>) target(%dma_start3A_121 : memref<640xf32, #tpu.memory_space<hbm>>) target_semaphore(%run_scoped3A_119 : memref<!tpu.dma_semaphore, #tpu.memory_space<semaphore_mem>>)
      %dma_wait3A_123 = tpu.memref_slice %arg5[%arg0, %mul3A_118] : memref<2x10240xf32, #tpu.memory_space<hbm>> -> memref<1x640xf32, #tpu.memory_space<hbm>>
      %dma_wait3A_124 = tpu.memref_squeeze %dma_wait3A_123 : memref<1x640xf32, #tpu.memory_space<hbm>> -> memref<640xf32, #tpu.memory_space<hbm>>
      %dma_wait3A_125 = tpu.memref_slice %arg12[%mul3A_116] : memref<10240xf32, #tpu.memory_space<vmem_shared>> -> memref<640xf32, #tpu.memory_space<vmem_shared>>
      tpu.wait_dma2 semaphore(%run_scoped3A_119 : memref<!tpu.dma_semaphore, #tpu.memory_space<semaphore_mem>>) src(%dma_wait3A_125 : memref<640xf32, #tpu.memory_space<vmem_shared>>) dst(%dma_wait3A_124 : memref<640xf32, #tpu.memory_space<hbm>>)
      tpu.yield
    }) : () -> ()
    return
  }
}

module attributes {stable_mosaic.version = 14 : i64} {
  func.func @_in_mlp_body(%arg0: i32, %arg1: memref<1000x128xf32, #tpu.memory_space<vmem>>, %arg2: memref<128x128xf32, #tpu.memory_space<vmem>>, %arg3: memref<1x128xf32, #tpu.memory_space<vmem>>, %arg4: memref<1000x128xf32, #tpu.memory_space<vmem>>) attributes {dimension_semantics = [#tpu.dimension_semantics<arbitrary>], iteration_bounds = array<i64: 10>, scalar_prefetch = 0 : i64, scratch_operands = 0 : i64, tpu.core_type = #tpu.core_type<tc>, window_params = [{transform_indices = @transform_0, window_bounds = array<i64: 1000, 128>}, {pipeline_mode = #tpu.pipeline_mode<synchronous>, transform_indices = @transform_1, window_bounds = array<i64: 128, 128>}, {pipeline_mode = #tpu.pipeline_mode<synchronous>, transform_indices = @transform_2, window_bounds = array<i64: 1, 128>}, {transform_indices = @transform_3, window_bounds = array<i64: 1000, 128>}]} {
    %get3A = arith.constant 0 : index
    %get3A_0 = arith.constant 0 : index
    %get3A_1 = vector.load %arg1[%get3A, %get3A_0] : memref<1000x128xf32, #tpu.memory_space<vmem>>, vector<1000x128xf32>
    %get3A_2 = arith.constant 0 : index
    %get3A_3 = arith.constant 0 : index
    %get3A_4 = vector.load %arg2[%get3A_2, %get3A_3] : memref<128x128xf32, #tpu.memory_space<vmem>>, vector<128x128xf32>
    %dot_general3A = arith.constant dense<0.000000e+00> : vector<1000x128xf32>
    %dot_general3A_5 = tpu.matmul %get3A_1, %get3A_4, %dot_general3A {dimension_numbers = #tpu.dot_dimension_numbers<[1], [0], [0], [1], [0, 0, 1, 1], [], []>, transpose_lhs_hint = false} : vector<1000x128xf32>, vector<128x128xf32>, vector<1000x128xf32> -> vector<1000x128xf32>
    %get3A_6 = arith.constant 0 : index
    %get3A_7 = arith.constant 0 : index
    %get3A_8 = vector.load %arg3[%get3A_6, %get3A_7] : memref<1x128xf32, #tpu.memory_space<vmem>>, vector<1x128xf32>
    %add3A = vector.broadcast %get3A_8 : vector<1x128xf32> to vector<1000x128xf32>
    %add3A_9 = arith.addf %dot_general3A_5, %add3A : vector<1000x128xf32>
    %max3A = arith.constant 0.000000e+00 : f32
    %max3A_10 = vector.broadcast %max3A : f32 to vector<1000x128xf32>
    %max3A_11 = arith.maximumf %add3A_9, %max3A_10 : vector<1000x128xf32>
    %swap3A = arith.constant 0 : index
    %swap3A_12 = arith.constant 0 : index
    %swap3A_13 = vector.load %arg4[%swap3A, %swap3A_12] : memref<1000x128xf32, #tpu.memory_space<vmem>>, vector<1000x128xf32>
    tpu.vector_store %arg4[%swap3A, %swap3A_12], %max3A_11 {strides = array<i32>} : memref<1000x128xf32, #tpu.memory_space<vmem>>, vector<1000x128xf32>,
    return
  }
  func.func @transform_0(%arg0: i32) -> (i32, i32) {
    %c0_i32 = arith.constant 0 : i32
    %c0_i32_0 = arith.constant 0 : i32
    return %arg0, %c0_i32 : i32, i32
  }
  func.func @transform_1(%arg0: i32) -> (i32, i32) {
    %c0_i32 = arith.constant 0 : i32
    %c0_i32_0 = arith.constant 0 : i32
    %c0_i32_1 = arith.constant 0 : i32
    return %c0_i32, %c0_i32_0 : i32, i32
  }
  func.func @transform_2(%arg0: i32) -> (i32, i32) {
    %c0_i32 = arith.constant 0 : i32
    %c0_i32_0 = arith.constant 0 : i32
    %c0_i32_1 = arith.constant 0 : i32
    return %c0_i32, %c0_i32_0 : i32, i32
  }
  func.func @transform_3(%arg0: i32) -> (i32, i32) {
    %c0_i32 = arith.constant 0 : i32
    %c0_i32_0 = arith.constant 0 : i32
    return %arg0, %c0_i32 : i32, i32
  }
}

module attributes {stable_mosaic.version = 14 : i64} {
  func.func @_tail_body(%arg0: i32, %arg1: memref<1000x128xf32, #tpu.memory_space<vmem>>, %arg2: memref<1x1000x128xf32, #tpu.memory_space<vmem>>, %arg3: memref<1x1000x128xf32, #tpu.memory_space<vmem>>, %arg4: memref<1x2x1000xf32, #tpu.memory_space<vmem>>, %arg5: memref<1x1x1000xi32, #tpu.memory_space<vmem>>, %arg6: memref<128x128xf32, #tpu.memory_space<vmem>>, %arg7: memref<1x128xf32, #tpu.memory_space<vmem>>, %arg8: memref<128x64xf32, #tpu.memory_space<vmem>>, %arg9: memref<1x64xf32, #tpu.memory_space<vmem>>, %arg10: memref<64x4xf32, #tpu.memory_space<vmem>>, %arg11: memref<1x4xf32, #tpu.memory_space<vmem>>, %arg12: memref<1x4xf32, #tpu.memory_space<vmem>>, %arg13: memref<64x4xf32, #tpu.memory_space<vmem>>, %arg14: memref<64x128xf32, #tpu.memory_space<vmem>>, %arg15: memref<64x1xf32, #tpu.memory_space<vmem>>) attributes {dimension_semantics = [#tpu.dimension_semantics<arbitrary>], iteration_bounds = array<i64: 10>, scalar_prefetch = 0 : i64, scratch_operands = 2 : i64, tpu.core_type = #tpu.core_type<tc>, window_params = [{transform_indices = @transform_0, window_bounds = array<i64: 1000, 128>}, {transform_indices = @transform_1, window_bounds = array<i64: 1, 1000, 128>}, {transform_indices = @transform_2, window_bounds = array<i64: 1, 1000, 128>}, {transform_indices = @transform_3, window_bounds = array<i64: 1, 2, 1000>}, {transform_indices = @transform_4, window_bounds = array<i64: 1, 1, 1000>}, {pipeline_mode = #tpu.pipeline_mode<synchronous>, transform_indices = @transform_5, window_bounds = array<i64: 128, 128>}, {pipeline_mode = #tpu.pipeline_mode<synchronous>, transform_indices = @transform_6, window_bounds = array<i64: 1, 128>}, {pipeline_mode = #tpu.pipeline_mode<synchronous>, transform_indices = @transform_7, window_bounds = array<i64: 128, 64>}, {pipeline_mode = #tpu.pipeline_mode<synchronous>, transform_indices = @transform_8, window_bounds = array<i64: 1, 64>}, {pipeline_mode = #tpu.pipeline_mode<synchronous>, transform_indices = @transform_9, window_bounds = array<i64: 64, 4>}, {pipeline_mode = #tpu.pipeline_mode<synchronous>, transform_indices = @transform_10, window_bounds = array<i64: 1, 4>}, {pipeline_mode = #tpu.pipeline_mode<synchronous>, transform_indices = @transform_11, window_bounds = array<i64: 1, 4>}, {pipeline_mode = #tpu.pipeline_mode<synchronous>, transform_indices = @transform_12, window_bounds = array<i64: 64, 4>}]} {
    %eq3A = arith.constant 0 : i32
    %eq3A_0 = arith.cmpi eq, %arg0, %eq3A : i32
    %convert_element_type3A = arith.extui %eq3A_0 : i1 to i32
    %cond3A = arith.constant 0 : i32
    %cond3A_1 = arith.cmpi ne, %convert_element_type3A, %cond3A : i32
    scf.if %cond3A_1 {
      %broadcast_in_dim3A_77 = arith.constant 0.000000e+00 : f32
      %broadcast_in_dim3A_78 = vector.broadcast %broadcast_in_dim3A_77 : f32 to vector<64x128xf32>
      %swap3A_79 = arith.constant 0 : index
      %swap3A_80 = arith.constant 0 : index
      %swap3A_81 = vector.load %arg14[%swap3A_79, %swap3A_80] : memref<64x128xf32, #tpu.memory_space<vmem>>, vector<64x128xf32>
      tpu.vector_store %arg14[%swap3A_79, %swap3A_80], %broadcast_in_dim3A_78 {strides = array<i32>} : memref<64x128xf32, #tpu.memory_space<vmem>>, vector<64x128xf32>,
      %broadcast_in_dim3A_82 = arith.constant 0.000000e+00 : f32
      %broadcast_in_dim3A_83 = vector.broadcast %broadcast_in_dim3A_82 : f32 to vector<64x1xf32>
      %swap3A_84 = arith.constant 0 : index
      %swap3A_85 = arith.constant 0 : index
      %swap3A_86 = vector.load %arg15[%swap3A_84, %swap3A_85] : memref<64x1xf32, #tpu.memory_space<vmem>>, vector<64x1xf32>
      tpu.vector_store %arg15[%swap3A_84, %swap3A_85], %broadcast_in_dim3A_83 {strides = array<i32>} : memref<64x1xf32, #tpu.memory_space<vmem>>, vector<64x1xf32>,
    } else {
    }
    %get3A = arith.constant 0 : index
    %get3A_2 = arith.constant 0 : index
    %get3A_3 = arith.constant 0 : index
    %get3A_4 = vector.load %arg4[%get3A, %get3A_2, %get3A_3] : memref<1x2x1000xf32, #tpu.memory_space<vmem>>, vector<1x2x1000xf32>
    %get3A_5 = vector.shape_cast %get3A_4 : vector<1x2x1000xf32> to vector<2x1000xf32>
    %broadcast_in_dim3A = arith.constant 1.000000e+00 : f32
    %broadcast_in_dim3A_6 = vector.broadcast %broadcast_in_dim3A : f32 to vector<2x1xf32>
    %dot_general3A = arith.constant dense<0.000000e+00> : vector<1000x1xf32>
    %dot_general3A_7 = tpu.matmul %get3A_5, %broadcast_in_dim3A_6, %dot_general3A {dimension_numbers = #tpu.dot_dimension_numbers<[0], [0], [1], [1], [0, 1, 1, 1], [], []>, transpose_lhs_hint = false} : vector<2x1000xf32>, vector<2x1xf32>, vector<1000x1xf32> -> vector<1000x1xf32>
    %get3A_8 = arith.constant 0 : index
    %get3A_9 = arith.constant 0 : index
    %get3A_10 = arith.constant 0 : index
    %get3A_11 = vector.load %arg5[%get3A_8, %get3A_9, %get3A_10] : memref<1x1x1000xi32, #tpu.memory_space<vmem>>, vector<1x1x1000xi32>
    %get3A_12 = vector.shape_cast %get3A_11 : vector<1x1x1000xi32> to vector<1x1000xi32>
    %convert_element_type3A_13 = arith.sitofp %get3A_12 : vector<1x1000xi32> to vector<1x1000xf32>
    %broadcast_in_dim3A_14 = arith.constant 1.000000e+00 : f32
    %broadcast_in_dim3A_15 = vector.broadcast %broadcast_in_dim3A_14 : f32 to vector<1x1xf32>
    %dot_general3A_16 = arith.constant dense<0.000000e+00> : vector<1000x1xf32>
    %dot_general3A_17 = tpu.matmul %convert_element_type3A_13, %broadcast_in_dim3A_15, %dot_general3A_16 {dimension_numbers = #tpu.dot_dimension_numbers<[0], [0], [1], [1], [0, 1, 1, 1], [], []>, transpose_lhs_hint = false} : vector<1x1000xf32>, vector<1x1xf32>, vector<1000x1xf32> -> vector<1000x1xf32>
    %get3A_18 = arith.constant 0 : index
    %get3A_19 = arith.constant 0 : index
    %get3A_20 = arith.constant 0 : index
    %get3A_21 = vector.load %arg2[%get3A_18, %get3A_19, %get3A_20] : memref<1x1000x128xf32, #tpu.memory_space<vmem>>, vector<1x1000x128xf32>
    %get3A_22 = vector.shape_cast %get3A_21 : vector<1x1000x128xf32> to vector<1000x128xf32>
    %get3A_23 = arith.constant 0 : index
    %get3A_24 = arith.constant 0 : index
    %get3A_25 = arith.constant 0 : index
    %get3A_26 = vector.load %arg3[%get3A_23, %get3A_24, %get3A_25] : memref<1x1000x128xf32, #tpu.memory_space<vmem>>, vector<1x1000x128xf32>
    %get3A_27 = vector.shape_cast %get3A_26 : vector<1x1000x128xf32> to vector<1000x128xf32>
    %add3A = arith.addf %get3A_22, %get3A_27 : vector<1000x128xf32>
    %max3A = arith.constant 1.000000e+00 : f32
    %max3A_28 = vector.broadcast %max3A : f32 to vector<1000x1xf32>
    %max3A_29 = arith.maximumf %dot_general3A_7, %max3A_28 : vector<1000x1xf32>
    %div3A = vector.broadcast %max3A_29 : vector<1000x1xf32> to vector<1000x128xf32>
    %div3A_30 = arith.divf %add3A, %div3A : vector<1000x128xf32>
    %get3A_31 = arith.constant 0 : index
    %get3A_32 = arith.constant 0 : index
    %get3A_33 = vector.load %arg1[%get3A_31, %get3A_32] : memref<1000x128xf32, #tpu.memory_space<vmem>>, vector<1000x128xf32>
    %add3A_34 = arith.addf %get3A_33, %div3A_30 : vector<1000x128xf32>
    %get3A_35 = arith.constant 0 : index
    %get3A_36 = arith.constant 0 : index
    %get3A_37 = vector.load %arg6[%get3A_35, %get3A_36] : memref<128x128xf32, #tpu.memory_space<vmem>>, vector<128x128xf32>
    %dot_general3A_38 = arith.constant dense<0.000000e+00> : vector<1000x128xf32>
    %dot_general3A_39 = tpu.matmul %add3A_34, %get3A_37, %dot_general3A_38 {dimension_numbers = #tpu.dot_dimension_numbers<[1], [0], [0], [1], [0, 0, 1, 1], [], []>, transpose_lhs_hint = false} : vector<1000x128xf32>, vector<128x128xf32>, vector<1000x128xf32> -> vector<1000x128xf32>
    %get3A_40 = arith.constant 0 : index
    %get3A_41 = arith.constant 0 : index
    %get3A_42 = vector.load %arg7[%get3A_40, %get3A_41] : memref<1x128xf32, #tpu.memory_space<vmem>>, vector<1x128xf32>
    %add3A_43 = vector.broadcast %get3A_42 : vector<1x128xf32> to vector<1000x128xf32>
    %add3A_44 = arith.addf %dot_general3A_39, %add3A_43 : vector<1000x128xf32>
    %max3A_45 = arith.constant 0.000000e+00 : f32
    %max3A_46 = vector.broadcast %max3A_45 : f32 to vector<1000x128xf32>
    %max3A_47 = arith.maximumf %add3A_44, %max3A_46 : vector<1000x128xf32>
    %iota3A = tpu.iota {dimensions = array<i32: 1>} : vector<1000x64xi32>
    %convert_element_type3A_48 = arith.sitofp %iota3A : vector<1000x64xi32> to vector<1000x64xf32>
    %eq3A_49 = vector.broadcast %dot_general3A_17 : vector<1000x1xf32> to vector<1000x64xf32>
    %eq3A_50 = arith.cmpf oeq, %eq3A_49, %convert_element_type3A_48 : vector<1000x64xf32>
    %convert_element_type3A_51 = arith.extui %eq3A_50 : vector<1000x64xi1> to vector<1000x64xi32>
    %convert_element_type3A_52 = arith.sitofp %convert_element_type3A_51 : vector<1000x64xi32> to vector<1000x64xf32>
    %get3A_53 = arith.constant 0 : index
    %get3A_54 = arith.constant 0 : index
    %get3A_55 = vector.load %arg14[%get3A_53, %get3A_54] : memref<64x128xf32, #tpu.memory_space<vmem>>, vector<64x128xf32>
    %dot_general3A_56 = arith.constant dense<0.000000e+00> : vector<64x128xf32>
    %dot_general3A_57 = tpu.matmul %convert_element_type3A_52, %max3A_47, %dot_general3A_56 {dimension_numbers = #tpu.dot_dimension_numbers<[0], [0], [1], [1], [0, 1, 1, 1], [], []>, precision = #tpu.contract_precision<fp32>, transpose_lhs_hint = false} : vector<1000x64xf32>, vector<1000x128xf32>, vector<64x128xf32> -> vector<64x128xf32>
    %add3A_58 = arith.addf %get3A_55, %dot_general3A_57 : vector<64x128xf32>
    %swap3A = arith.constant 0 : index
    %swap3A_59 = arith.constant 0 : index
    %swap3A_60 = vector.load %arg14[%swap3A, %swap3A_59] : memref<64x128xf32, #tpu.memory_space<vmem>>, vector<64x128xf32>
    tpu.vector_store %arg14[%swap3A, %swap3A_59], %add3A_58 {strides = array<i32>} : memref<64x128xf32, #tpu.memory_space<vmem>>, vector<64x128xf32>,
    %get3A_61 = arith.constant 0 : index
    %get3A_62 = arith.constant 0 : index
    %get3A_63 = vector.load %arg15[%get3A_61, %get3A_62] : memref<64x1xf32, #tpu.memory_space<vmem>>, vector<64x1xf32>
    %broadcast_in_dim3A_64 = arith.constant 1.000000e+00 : f32
    %broadcast_in_dim3A_65 = vector.broadcast %broadcast_in_dim3A_64 : f32 to vector<1000x1xf32>
    %dot_general3A_66 = arith.constant dense<0.000000e+00> : vector<64x1xf32>
    %dot_general3A_67 = tpu.matmul %convert_element_type3A_52, %broadcast_in_dim3A_65, %dot_general3A_66 {dimension_numbers = #tpu.dot_dimension_numbers<[0], [0], [1], [1], [0, 1, 1, 1], [], []>, transpose_lhs_hint = false} : vector<1000x64xf32>, vector<1000x1xf32>, vector<64x1xf32> -> vector<64x1xf32>
    %add3A_68 = arith.addf %get3A_63, %dot_general3A_67 : vector<64x1xf32>
    %swap3A_69 = arith.constant 0 : index
    %swap3A_70 = arith.constant 0 : index
    %swap3A_71 = vector.load %arg15[%swap3A_69, %swap3A_70] : memref<64x1xf32, #tpu.memory_space<vmem>>, vector<64x1xf32>
    tpu.vector_store %arg15[%swap3A_69, %swap3A_70], %add3A_68 {strides = array<i32>} : memref<64x1xf32, #tpu.memory_space<vmem>>, vector<64x1xf32>,
    %eq3A_72 = arith.constant 9 : i32
    %eq3A_73 = arith.cmpi eq, %arg0, %eq3A_72 : i32
    %convert_element_type3A_74 = arith.extui %eq3A_73 : i1 to i32
    %cond3A_75 = arith.constant 0 : i32
    %cond3A_76 = arith.cmpi ne, %convert_element_type3A_74, %cond3A_75 : i32
    scf.if %cond3A_76 {
      %get3A_77 = arith.constant 0 : index
      %get3A_78 = arith.constant 0 : index
      %get3A_79 = vector.load %arg14[%get3A_77, %get3A_78] : memref<64x128xf32, #tpu.memory_space<vmem>>, vector<64x128xf32>
      %get3A_80 = arith.constant 0 : index
      %get3A_81 = arith.constant 0 : index
      %get3A_82 = vector.load %arg15[%get3A_80, %get3A_81] : memref<64x1xf32, #tpu.memory_space<vmem>>, vector<64x1xf32>
      %max3A_83 = arith.constant 1.000000e+00 : f32
      %max3A_84 = vector.broadcast %max3A_83 : f32 to vector<64x1xf32>
      %max3A_85 = arith.maximumf %get3A_82, %max3A_84 : vector<64x1xf32>
      %div3A_86 = vector.broadcast %max3A_85 : vector<64x1xf32> to vector<64x128xf32>
      %div3A_87 = arith.divf %get3A_79, %div3A_86 : vector<64x128xf32>
      %get3A_88 = arith.constant 0 : index
      %get3A_89 = arith.constant 0 : index
      %get3A_90 = vector.load %arg8[%get3A_88, %get3A_89] : memref<128x64xf32, #tpu.memory_space<vmem>>, vector<128x64xf32>
      %dot_general3A_91 = arith.constant dense<0.000000e+00> : vector<64x64xf32>
      %dot_general3A_92 = tpu.matmul %div3A_87, %get3A_90, %dot_general3A_91 {dimension_numbers = #tpu.dot_dimension_numbers<[1], [0], [0], [1], [0, 0, 1, 1], [], []>, transpose_lhs_hint = false} : vector<64x128xf32>, vector<128x64xf32>, vector<64x64xf32> -> vector<64x64xf32>
      %get3A_93 = arith.constant 0 : index
      %get3A_94 = arith.constant 0 : index
      %get3A_95 = vector.load %arg9[%get3A_93, %get3A_94] : memref<1x64xf32, #tpu.memory_space<vmem>>, vector<1x64xf32>
      %add3A_96 = vector.broadcast %get3A_95 : vector<1x64xf32> to vector<64x64xf32>
      %add3A_97 = arith.addf %dot_general3A_92, %add3A_96 : vector<64x64xf32>
      %max3A_98 = arith.constant 0.000000e+00 : f32
      %max3A_99 = vector.broadcast %max3A_98 : f32 to vector<64x64xf32>
      %max3A_100 = arith.maximumf %add3A_97, %max3A_99 : vector<64x64xf32>
      %get3A_101 = arith.constant 0 : index
      %get3A_102 = arith.constant 0 : index
      %get3A_103 = vector.load %arg10[%get3A_101, %get3A_102] : memref<64x4xf32, #tpu.memory_space<vmem>>, vector<64x4xf32>
      %dot_general3A_104 = arith.constant dense<0.000000e+00> : vector<64x4xf32>
      %dot_general3A_105 = tpu.matmul %max3A_100, %get3A_103, %dot_general3A_104 {dimension_numbers = #tpu.dot_dimension_numbers<[1], [0], [0], [1], [0, 0, 1, 1], [], []>, transpose_lhs_hint = false} : vector<64x64xf32>, vector<64x4xf32>, vector<64x4xf32> -> vector<64x4xf32>
      %get3A_106 = arith.constant 0 : index
      %get3A_107 = arith.constant 0 : index
      %get3A_108 = vector.load %arg11[%get3A_106, %get3A_107] : memref<1x4xf32, #tpu.memory_space<vmem>>, vector<1x4xf32>
      %add3A_109 = vector.broadcast %get3A_108 : vector<1x4xf32> to vector<64x4xf32>
      %add3A_110 = arith.addf %dot_general3A_105, %add3A_109 : vector<64x4xf32>
      %get3A_111 = arith.constant 0 : index
      %get3A_112 = arith.constant 0 : index
      %get3A_113 = vector.load %arg12[%get3A_111, %get3A_112] : memref<1x4xf32, #tpu.memory_space<vmem>>, vector<1x4xf32>
      %add3A_114 = vector.broadcast %get3A_113 : vector<1x4xf32> to vector<64x4xf32>
      %add3A_115 = arith.addf %add3A_110, %add3A_114 : vector<64x4xf32>
      %iota3A_116 = tpu.iota {dimensions = array<i32: 1>} : vector<64x4xi32>
      %eq3A_117 = arith.constant 1 : i32
      %eq3A_118 = vector.broadcast %eq3A_117 : i32 to vector<64x4xi32>
      %eq3A_119 = arith.cmpi eq, %iota3A_116, %eq3A_118 : vector<64x4xi32>
      %logistic3A = arith.negf %add3A_115 : vector<64x4xf32>
      %logistic3A_120 = math.exp %logistic3A : vector<64x4xf32>
      %logistic3A_121 = arith.constant 1.000000e+00 : f32
      %logistic3A_122 = vector.broadcast %logistic3A_121 : f32 to vector<64x4xf32>
      %logistic3A_123 = arith.addf %logistic3A_122, %logistic3A_120 : vector<64x4xf32>
      %logistic3A_124 = arith.divf %logistic3A_122, %logistic3A_123 : vector<64x4xf32>
      %select_n3A = arith.select %eq3A_119, %logistic3A_124, %add3A_115 : vector<64x4xi1>, vector<64x4xf32>
      %eq3A_125 = arith.constant 2 : i32
      %eq3A_126 = vector.broadcast %eq3A_125 : i32 to vector<64x4xi32>
      %eq3A_127 = arith.cmpi eq, %iota3A_116, %eq3A_126 : vector<64x4xi32>
      %max3A_128 = arith.constant 0.000000e+00 : f32
      %max3A_129 = vector.broadcast %max3A_128 : f32 to vector<64x4xf32>
      %max3A_130 = arith.maximumf %select_n3A, %max3A_129 : vector<64x4xf32>
      %add3A_131 = arith.constant 1.000000e+00 : f32
      %add3A_132 = vector.broadcast %add3A_131 : f32 to vector<64x4xf32>
      %add3A_133 = arith.addf %max3A_130, %add3A_132 : vector<64x4xf32>
      %select_n3A_134 = arith.select %eq3A_127, %add3A_133, %select_n3A : vector<64x4xi1>, vector<64x4xf32>
      %swap3A_135 = arith.constant 0 : index
      %swap3A_136 = arith.constant 0 : index
      %swap3A_137 = vector.load %arg13[%swap3A_135, %swap3A_136] : memref<64x4xf32, #tpu.memory_space<vmem>>, vector<64x4xf32>
      tpu.vector_store %arg13[%swap3A_135, %swap3A_136], %select_n3A_134 {strides = array<i32>} : memref<64x4xf32, #tpu.memory_space<vmem>>, vector<64x4xf32>,
    } else {
    }
    return
  }
  func.func @transform_0(%arg0: i32) -> (i32, i32) {
    %c0_i32 = arith.constant 0 : i32
    %c0_i32_0 = arith.constant 0 : i32
    return %arg0, %c0_i32 : i32, i32
  }
  func.func @transform_1(%arg0: i32) -> (i32, i32, i32) {
    %c0_i32 = arith.constant 0 : i32
    %c0_i32_0 = arith.constant 0 : i32
    %c0_i32_1 = arith.constant 0 : i32
    return %c0_i32, %arg0, %c0_i32_0 : i32, i32, i32
  }
  func.func @transform_2(%arg0: i32) -> (i32, i32, i32) {
    %c1_i32 = arith.constant 1 : i32
    %c0_i32 = arith.constant 0 : i32
    %c0_i32_0 = arith.constant 0 : i32
    return %c1_i32, %arg0, %c0_i32 : i32, i32, i32
  }
  func.func @transform_3(%arg0: i32) -> (i32, i32, i32) {
    %c0_i32 = arith.constant 0 : i32
    %c0_i32_0 = arith.constant 0 : i32
    %c0_i32_1 = arith.constant 0 : i32
    return %arg0, %c0_i32, %c0_i32_0 : i32, i32, i32
  }
  func.func @transform_4(%arg0: i32) -> (i32, i32, i32) {
    %c0_i32 = arith.constant 0 : i32
    %c0_i32_0 = arith.constant 0 : i32
    %c0_i32_1 = arith.constant 0 : i32
    return %arg0, %c0_i32, %c0_i32_0 : i32, i32, i32
  }
  func.func @transform_5(%arg0: i32) -> (i32, i32) {
    %c0_i32 = arith.constant 0 : i32
    %c0_i32_0 = arith.constant 0 : i32
    %c0_i32_1 = arith.constant 0 : i32
    return %c0_i32, %c0_i32_0 : i32, i32
  }
  func.func @transform_6(%arg0: i32) -> (i32, i32) {
    %c0_i32 = arith.constant 0 : i32
    %c0_i32_0 = arith.constant 0 : i32
    %c0_i32_1 = arith.constant 0 : i32
    return %c0_i32, %c0_i32_0 : i32, i32
  }
  func.func @transform_7(%arg0: i32) -> (i32, i32) {
    %c0_i32 = arith.constant 0 : i32
    %c0_i32_0 = arith.constant 0 : i32
    %c0_i32_1 = arith.constant 0 : i32
    return %c0_i32, %c0_i32_0 : i32, i32
  }
  func.func @transform_8(%arg0: i32) -> (i32, i32) {
    %c0_i32 = arith.constant 0 : i32
    %c0_i32_0 = arith.constant 0 : i32
    %c0_i32_1 = arith.constant 0 : i32
    return %c0_i32, %c0_i32_0 : i32, i32
  }
  func.func @transform_9(%arg0: i32) -> (i32, i32) {
    %c0_i32 = arith.constant 0 : i32
    %c0_i32_0 = arith.constant 0 : i32
    %c0_i32_1 = arith.constant 0 : i32
    return %c0_i32, %c0_i32_0 : i32, i32
  }
  func.func @transform_10(%arg0: i32) -> (i32, i32) {
    %c0_i32 = arith.constant 0 : i32
    %c0_i32_0 = arith.constant 0 : i32
    %c0_i32_1 = arith.constant 0 : i32
    return %c0_i32, %c0_i32_0 : i32, i32
  }
  func.func @transform_11(%arg0: i32) -> (i32, i32) {
    %c0_i32 = arith.constant 0 : i32
    %c0_i32_0 = arith.constant 0 : i32
    %c0_i32_1 = arith.constant 0 : i32
    return %c0_i32, %c0_i32_0 : i32, i32
  }
  func.func @transform_12(%arg0: i32) -> (i32, i32) {
    %c0_i32 = arith.constant 0 : i32
    %c0_i32_0 = arith.constant 0 : i32
    %c0_i32_1 = arith.constant 0 : i32
    return %c0_i32, %c0_i32_0 : i32, i32
  }
}

</mosaic_0001>

<sc_bundles>
// kernel: kernel.5.cloned.1.call-start
scs
__scs_entry_jumppad:
0x0: {  	(pc) =	sbr.rel $0x88, $3  }
0x1: {  	(tag) =	ssettag $0x0;
	lr =	simm.s32 $0x1  }
0x2: {  	[smem:$0x3F95] =	sst lr;
	_ =	strace $0xD0000000  }
0x3: {  	_ = 	snop  }
0x4: {  	_ = 	snop  }
0x5: {  	_ = 	snop  }
0x6: {  	_ = 	snop  }
0x7: {  	_ = 	snop  }
__scs_overlays_trampoline_lowered:
0x8: {  	[smem:$0x3FA4] =	sst s0  }
0x9: {  	[smem:$0x3FA5] =	sst s1  }
0xa: {  	[smem:$0x3FA6] =	sst s2  }
0xb: {  	[smem:$0x3FA7] =	sst s3  }
0xc: {  	[smem:$0x3FA8] =	sst s4  }
0xd: {  	[smem:$0x3FA9] =	sst s5  }
0xe: {  	[smem:$0x3FAA] =	sst s6  }
0xf: {  	[smem:$0x3FAB] =	sst s7  }
0x10: {  	[smem:$0x3FAC] =	sst s8  }
0x11: {  	[smem:$0x3FAD] =	sst s9;
	s0 =	simm.s32 @!p0 $0x0  }
0x12: {  	s1 =	sld [smem:$0x3F93];
	s0 =	simm.s32 @p0 $0x1  }
0x13: {  	[smem:$0x3FAE] =	sst s0;
	s0 =	simm.s32 @!p1 $0x0  }
0x14: {  	s2 =	sld [smem:$0x3F92];
	s0 =	simm.s32 @p1 $0x1  }
0x15: {  	[smem:$0x3FAF] =	sst s0;
	s0 =	simm.s32 @!p2 $0x0  }
0x16: {  	s3 =	sld [smem:$0x3FDB];
	s0 =	simm.s32 @p2 $0x1  }
0x17: {  	s4 =	simm.s32 $0x1BF5;
	[smem:$0x3FB1] =	sst s0  }
0x18: {  	s0 =	sld [smem:$0x3F94];
	_ =	swait.ge [sflag:s4], $0x0  }
0x19: {  	s7 =	sld [smem:$0x3F95]  }
0x1a: {  	s8 =	sadd.s32 $0xFFFFE003, lr  }
0x1b: {  	s9 =	sadd.s32 $0xFFFFFEF7, lr;
	s5 =	simm.s32 $0xFFFFFFFF;
	p2 =	slt.u32 s8, $0xFFFFF086  }
0x1c: {  	p1 =	slt.u32 s9, $0xF7A;
	s5 =	simm.s32 @!p2 $0x0  }
0x1d: {  	s5 =	simm.s32 @p1 $0x1;
	p0 =	seq.s32 s7, s2  }
0x1e: {  	s7 =	smul.u32 @!p0 $0xF7A, s2;
	p2 =	seq.s32 @!p0 s5, $0x0  }
0x1f: {  	s9 =	smul.u32 $0xF7A, s1;
	s8 =	simm.s32 @!p0 $0x1BF5;
	p2 =	por !p2, p0  }
0x20: {  	[sflag:s8] =	ssyncset.s32 @!p0 $0xFFFFF086;
	s6 =	sadd.s32 @!p0 s3, s7;
	s7 =	simm.s32 @!p0 $0x108  }
0x21: {  	s3 =	sadd.s32 s3, s9;
	s6 =	sadd.s32 @!p0 $0x88, s6;
	s7 =	simm.s32 @p2 $0x1082  }
0x22: {  	[simem:s7], [sflag:s8] =	dma.local @!p0 [hbm:s6], $0xF7A  }
0x23: {  	s9 =	sor.u32 $0xD0000000, s2;
	s6 =	simm.s32 $0x108;
	_ =	swait.ge @!p0 [sflag:s8], $0x0  }
0x24: {  	s3 =	sadd.s32 $0x88, s3;
	s6 =	simm.s32 @!p1 $0x1082;
	[sflag:s4] =	ssyncset.s32 $0xFFFFF086  }
0x25: {  	[simem:s6], [sflag:s4] =	dma.local [hbm:s3], $0xF7A  }
0x26: {  	[smem:$0x3F95] =	sst s1;
	(tag) =	ssettag s2;
	_ =	strace s9  }
0x27: {  	s1 =	sld [smem:$0x3FA5]  }
0x28: {  	s2 =	sld [smem:$0x3FA6]  }
0x29: {  	s4 =	sld [smem:$0x3FA8]  }
0x2a: {  	p0 =	seq.s32 s5, $0x0;
	s5 =	sld [smem:$0x3FA9]  }
0x2b: {  	s6 =	sld [smem:$0x3FAA]  }
0x2c: {  	s7 =	sld [smem:$0x3FAB]  }
0x2d: {  	s3 =	simm.s32 $0x108;
	s8 =	sld [smem:$0x3FAC]  }
0x2e: {  	s3 =	simm.s32 @!p0 $0x1082;
	s9 =	sld [smem:$0x3FAD]  }
0x2f: {  	lr =	sadd.s32 s0, s3;
	s0 =	sld [smem:$0x3FA4]  }
0x30: {  	s3 =	sld [smem:$0x3FA7]  }
0x31: {  	[smem:$0x3FB0] =	sst s10  }
0x32: {  	s10 =	sld [smem:$0x3FAE];
	_ =	sdelay $0x3  }
0x33: {  	p0 =	seq.s32 s10, $0x1;
	s10 =	sld [smem:$0x3FB0];
	_ =	sdelay $0x3  }
0x34: {  	[smem:$0x3FB0] =	sst s10  }
0x35: {  	s10 =	sld [smem:$0x3FAF];
	_ =	sdelay $0x3  }
0x36: {  	p1 =	seq.s32 s10, $0x1;
	s10 =	sld [smem:$0x3FB0];
	_ =	sdelay $0x3  }
0x37: {  	[smem:$0x3FB0] =	sst s10  }
0x38: {  	s10 =	sld [smem:$0x3FB1]  }
0x39: {  	_ = 	snop;
	(pc) =	sbr.ind lr, $3  }
0x3a: {  	_ = 	snop  }
0x3b: {  	_ = 	snop  }
0x3c: {  	p2 =	seq.s32 s10, $0x1;
	s10 =	sld [smem:$0x3FB0]  }
0x3d: {  	_ =	shalt  }
0x3e: {  	_ =	shalt  }
0x3f: {  	_ =	shalt  }
0x40: {  	_ =	shalt  }
0x41: {  	_ =	shalt  }
0x42: {  	_ =	shalt  }
0x43: {  	_ =	shalt  }
0x44: {  	_ =	shalt  }
0x45: {  	_ =	shalt  }
0x46: {  	_ =	shalt  }
0x47: {  	_ =	shalt  }
0x48: {  	_ =	shalt  }
0x49: {  	_ =	shalt  }
0x4a: {  	_ =	shalt  }
0x4b: {  	_ =	shalt  }
0x4c: {  	_ =	shalt  }
0x4d: {  	_ =	shalt  }
0x4e: {  	_ =	shalt  }
0x4f: {  	_ =	shalt  }
0x50: {  	_ =	shalt  }
0x51: {  	_ =	shalt  }
0x52: {  	_ =	shalt  }
0x53: {  	_ =	shalt  }
0x54: {  	_ =	shalt  }
0x55: {  	_ =	shalt  }
0x56: {  	_ =	shalt  }
0x57: {  	_ =	shalt  }
0x58: {  	_ =	shalt  }
0x59: {  	_ =	shalt  }
0x5a: {  	_ =	shalt  }
0x5b: {  	_ =	shalt  }
0x5c: {  	_ =	shalt  }
0x5d: {  	_ =	shalt  }
0x5e: {  	_ =	shalt  }
0x5f: {  	_ =	shalt  }
0x60: {  	_ =	shalt  }
0x61: {  	_ =	shalt  }
0x62: {  	_ =	shalt  }
0x63: {  	_ =	shalt  }
0x64: {  	_ =	shalt  }
0x65: {  	_ =	shalt  }
0x66: {  	_ =	shalt  }
0x67: {  	_ =	shalt  }
0x68: {  	_ =	shalt  }
0x69: {  	_ =	shalt  }
0x6a: {  	_ =	shalt  }
0x6b: {  	_ =	shalt  }
0x6c: {  	_ =	shalt  }
0x6d: {  	_ =	shalt  }
0x6e: {  	_ =	shalt  }
0x6f: {  	_ =	shalt  }
0x70: {  	_ =	shalt  }
0x71: {  	_ =	shalt  }
0x72: {  	_ =	shalt  }
0x73: {  	_ =	shalt  }
0x74: {  	_ =	shalt  }
0x75: {  	_ =	shalt  }
0x76: {  	_ =	shalt  }
0x77: {  	_ =	shalt  }
0x78: {  	_ =	shalt  }
0x79: {  	_ =	shalt  }
0x7a: {  	_ =	shalt  }
0x7b: {  	_ =	shalt  }
0x7c: {  	_ =	shalt  }
0x7d: {  	_ =	shalt  }
0x7e: {  	_ =	shalt  }
0x7f: {  	_ =	shalt  }
0x80: {  	_ =	shalt  }
0x81: {  	_ =	shalt  }
0x82: {  	_ =	shalt  }
0x83: {  	_ =	shalt  }
0x84: {  	_ =	shalt  }
0x85: {  	_ =	shalt  }
0x86: {  	_ =	shalt  }
0x87: {  	_ =	shalt  }
.Lfunc_end0:
.L_simem_size_0:
called_computation_lowered:
.L_overlay_start_0:
0x88: {  	s2 =	sld [smem:$0x3FD9]  }
0x89: {  	s3 =	sld [smem:$0x3FFE];
	_ =	sdelay $0x1  }
0x8a: {  	s1 =	srdreg.scid  }
0x8b: {  	s0 =	sand.u32 $0x1, s1  }
0x8c: {  	s16 =	sshll.u32 s0, $0xA;
	s2 =	sadd.s32 s3, s2  }
0x8d: {  	s2 =	sadd.s32 s2, s16  }
0x8e: {  	[smem:$0x3FBC] =	sst s2  }
0x8f: {  	_ = 	snop  }
0x90: {  	(tm) =	ssettm $0x1  }
0x91: {  	s17 =	sld [smem:$0x3FFB];
	_ =	sdelay $0x3  }
0x92: {  	_ =	strace s17  }
0x93: {  	s2 =	sld [smem:$0x3FFC];
	_ =	sdelay $0x3  }
0x94: {  	_ =	strace s2  }
0x95: {  	s2 =	sld [smem:$0x3FFD];
	_ =	sdelay $0x3  }
0x96: {  	_ =	strace s2  }
0x97: {  	_ =	strace $0x8FFFFFFF  }
0x98: {  	s18 =	sld [smem:$0x3FDB];
	_ =	sdelay $0x1  }
0x99: {  	s19 =	simm.s32 $_scs_section_size  }
0x9a: {  	s4 =	simm.s32 $_size__tile_overlayer_lowered;
	s5 =	simm.s32 $_tile_overlayer_lowered  }
0x9b: {  	s22 =	simm.s32 $0x1BFF;
	s21 =	sshll.u32 s5, $0x1;
	s2 =	sadd.s32 s19, s18  }
0x9c: {  	s6 =	simm.s32 $0x0;
	s20 =	sshll.u32 s4, $0x1;
	s4 =	sadd.s32 s21, s2  }
0x9d: {  	[timem:s6], [sflag:s22] =	dma.local [hbm:s4], s20  }
0x9e: {  	_ =	swait.ge [sflag:s22], s20  }
0x9f: {  	s3 =	ssub.s32 $0x0, s20;
	[sflag:s22] =	ssyncset.done $0x0  }
0xa0: {  	[sflag:s22] =	ssyncadd.s32 s3;
	_ =	sdelay $0x1  }
0xa1: {  	s23 =	simm.s32 $0x1B8B  }
0xa2: {  	_ =	swait.ge [sflag:s23], $0x1  }
0xa3: {  	[sflag:s23] =	ssyncset.done $0x0  }
0xa4: {  	s25 =	simm.s32 $0x1B8E;
	s24 =	sld [smem:$0x3FFE];
	[sflag:s23] =	ssyncadd.s32 $0xFFFFFFFF  }
0xa5: {  	s26 =	simm.s32 $execute0_lowered;
	[smem:$0x3FD2] =	sst s25  }
0xa6: {  	s4 =	sshll.u32 s26, $0x1;
	_ =	strace $0x80000046;
	[dreg:$0x1] =	wrdreg $0xFFFFFFFF  }
0xa7: {  	s28 =	simm.s32 $_size_execute0_lowered;
	s2 =	sadd.s32 s2, s4;
	[dreg:$0x0] =	wrdreg $0x0  }
0xa8: {  	s4 =	sshll.u32 s28, $0x1;
	[dreg:$0x2] =	wrdreg s2  }
0xa9: {  	[dreg:$0x3] =	wrdreg s4  }
0xaa: {  	[dreg:$0x4] =	wrdreg $0xC0  }
0xab: {  	_ =	task [dreg:s6], $0x5FFFF  }
0xac: {  	[dreg:$0x1] =	wrdreg $0xFFFFFFFF  }
0xad: {  	[dreg:$0x0] =	wrdreg $0x60  }
0xae: {  	[dreg:$0x2] =	wrdreg s24  }
0xaf: {  	[dreg:$0x3] =	wrdreg $0xAB000  }
0xb0: {  	[dreg:$0x4] =	wrdreg $0x1EB000  }
0xb1: {  	[dreg:$0x5] =	wrdreg $0x9  }
0xb2: {  	_ =	task.clear_ibuf [dreg:s6], $0x6FFFF;
	_ =	strace $0x90000046  }
0xb3: {  	s29 =	simm.s32 $0x9;
	_ =	strace $0x80000048  }
0xb4: {  	_ =	swait.ge [sflag:s29], $0x1  }
0xb5: {  	[sflag:s29] =	ssyncadd.s32 $0xFFFFFFFF  }
0xb6: {  	_ =	strace $0x90000048  }
0xb7: {  	_ =	sfence  }
0xb8: {  	s30 =	sld [smem:$0x0];
	_ =	sdelay $0x2  }
0xb9: {  	s31 =	sshll.u32 s1, $0xD;
	s1 =	sshrl.u32 s1, $0x2  }
0xba: {  	s3 =	sand.u32 $0x4000, s31;
	s1 =	sadd.s32 s1, s30  }
0xbb: {  	s0 =	sor.u32 s3, s0;
	s1 =	sshll.u32 s1, $0x11  }
0xbc: {  	s0 =	sor.u32 s1, s0  }
0xbd: {  	s0 =	sadd.s32 $0x8F2B, s0  }
0xbe: {  	[sflag:s0] =	ssyncadd.remote.s32 $0x1  }
0xbf: {  	_ =	sfence.sel $0xFFFF  }
0xc0: {  	[dreg:$0x0] =	wrdreg $0xFFFFFFFF;
	(pc) =	sbr.abs _section_cstart, $3  }
0xc1: {  	[dreg:$0x1] =	wrdreg $0xFFFFFFFF  }
0xc2: {  	_ =	task.clear_ibuf [dreg:s6], $0x2FFFF;
	_ =	strace $0x9FFFFFFF  }
0xc3: {  	(tm) =	ssettm $0x7FFFFFFF  }
tec
execute0_lowered:
.L_overlay_start_1:
0x0: {  	(tag) =	ssettag $0x1  }
0x1: {  	s0 =	srdreg.scid  }
0x2: {  	s1 =	rddreg [dreg:$0x0];
	s10 =	stileid.u32  }
0x3: {  	s2 =	rddreg [dreg:$0x1];
	s17 =	simm.s32 $0x5;
	s8 =	smul.u32 $0x14000, s10  }
0x4: {  	s18 =	simm.s32 $0x1400;
	s19 =	simm.s32 $0x2800;
	s20 =	smul.u32 $0x500, s10  }
0x5: {  	s28 =	simm.s32 $0x2;
	s29 =	simm.s32 $0x1480;
	s23 =	smul.u32 $0x50000, s10  }
0x6: {  	s30 =	simm.s32 $0x4;
	s0 =	sand.u32 $0x1, s0;
	s13 =	smul.u32 $0xA00, s10  }
0x7: {  	s5 =	sadd.s32 $0xB600, s1;
	s3 =	sshll.u32 s0, $0x4;
	s7 =	smul.u32 $0x140000, s0  }
0x8: {  	s22 =	sshll.u32 s0, $0x7;
	s0 =	ssub.s32 $0x2, s0;
	s4 =	sor.u32 s10, s3  }
0x9: {  	s3 =	rddreg [dreg:$0x2];
	s25 =	sshrl.u32 s0, $0x1;
	s26 =	sshrl.u32 s23, $0x2  }
0xa: {  	s13 =	sshrl.u32 s13, $0x2;
	s23 =	simm.s32 $0x1;
	s6 =	smul.u32 $0x1400, s4  }
0xb: {  	s4 =	simm.s32 $0x0;
	s7 =	sadd.s32 s8, s7;
	s0 =	ssub.s32 s0, s25  }
0xc: {  	s13 =	sadd.s32 s13, s3;
	s25 =	simm.s32 $0x3;
	[smem:$0x7FF] =	sst s4  }
0xd: {  	s21 =	sshrl.u32 s7, $0x3;
	s7 =	sor.u32 s22, s20;
	s16 =	smax.u32 s0, $0x1  }
0xe: {  	s22 =	simm.s32 $0x6800;
	s20 =	simm.s32 $0x0;
	_ =	strace $0x80000047  }
0xf: {  	s6 =	sshrl.u32 s6, $0x3;
	s14 =	sadd.s32 s21, s1;
	s24 =	sshrl.u32 s7, $0x3  }
.Ltmp0:
0x10: {  	s7 =	sadd.s32 s26, s2;
	s21 =	simm.s32 $0x80;
	(pc) =	sbr.rel .LBB2_1-.Ltmp0, $4  }
0x11: {  	s9 =	sadd.s32 s6, s1;
	s1 =	sadd.s32 s24, s1;
	s10 =	sadd.s32 $0x8000, s7  }
0x12: {  	s11 =	sadd.s32 $0xC000, s7;
	s12 =	sadd.s32 $0x10000, s7;
	s14 =	sadd.s32 $0x33200, s14  }
0x13: {  	s24 =	simm.s32 $0xA800;
	s31 =	sadd.s32 $0x1600, s9;
	s8 =	sadd.s32 $0x6600, s9  }
0x14: {  	v0 =	vimm.f32 $0.0e+00;
	v1 =	vimm.f32 $1.000000000e+00;
	s9 =	sadd.s32 $0x4000, s7;
	s15 =	sadd.s32 $0x32800, s1;
	[dreg:$0x4] =	wrdreg s31  }
.LBB2_6:
0x15: {  	_ =	swait.ge [sflag:s30], $0x80  }
0x16: {  	s0 =	stileid.u32;
	[sflag:s30] =	ssyncset.done $0x0  }
0x17: {  	s0 =	sshll.u32 s0, $0x6;
	[sflag:s30] =	ssyncadd.s32 $0xFFFFFF80  }
0x18: {  	s1 =	sshrl.u32 s7, $0x3;
	s0 =	sor.u32 $0x1C05, s0;
	[bflag:$0x0] =	sbarrier.arrive $0xFFFF  }
0x19: {  	[hbm:s14], [sflag:s0] =	dma.local [spmem:s1], $0x2800  }
0x1a: {  	s31 =	sshrl.u32 s13, $0x3;
	s20 =	sadd.s32 $0x1, s20;
	_ =	swait.ge [sflag:s17], $0x2800  }
0x1b: {  	s6 =	simm.s32 $0x20;
	p0 =	sne.s32 s20, s16;
	[sflag:s17] =	ssyncset.done $0x0  }
.Ltmp1:
0x1c: {  	s26 =	simm.s32 $0x10;
	[sflag:s17] =	ssyncadd.s32 $0xFFFFD800;
	(pc) =	sbr.rel @!p0 .LBB2_7-.Ltmp1, $4  }
0x1d: {  	[hbm:s15@s6], [sflag:s0] =	dma.strided [spmem:s31@s26], $0x50, s23, $0x10   }
0x1e: {  	_ =	swait.ge [sflag:s17], $0x50  }
0x1f: {  	[sflag:s17] =	ssyncset.done $0x0  }
0x20: {  	[sflag:s17] =	ssyncadd.s32 $0xFFFFFFB0  }
.LBB2_1:
0x21: {  	s0 =	rddreg [dreg:$0x4]  }
0x22: {  	[tilespmem:s4], [sflag:$0x5] =	stream.linear.gather [hbm4b:s0+s4], $0x1400, $0x38;
	[tilespmem:$0x1ED80] =	vst v63  }
0x23: {  	_ =	swait.ge [sflag:s17], $0x1400  }
0x24: {  	[sflag:s17] =	ssyncset.done $0x0  }
0x25: {  	[sflag:s17] =	ssyncadd.s32 $0xFFFFEC00  }
0x26: {  	[tilespmem:s18], [sflag:$0x5] =	stream.linear.gather [hbm4b:s8+s4], $0x1400, $0x38;
	[tilespmem:$0x1ED80] =	vst v63  }
0x27: {  	_ =	swait.ge [sflag:s17], $0x1400  }
0x28: {  	[sflag:s17] =	ssyncset.done $0x0  }
0x29: {  	s26 =	simm.s32 $0x0;
	s31 =	simm.s32 $0x200;
	[sflag:s17] =	ssyncadd.s32 $0xFFFFEC00  }
.LBB2_2:
0x2a: {  	p0 =	sne.s32 s31, $0xFE00;
	[tilespmem:s26+$0x2870] =	vst v0  }
0x2b: {  	[tilespmem:s26+$0x2800] =	vst v0  }
0x2c: {  	[tilespmem:s26+$0x2810] =	vst v0  }
.Ltmp2:
0x2d: {  	[tilespmem:s26+$0x2820] =	vst v0;
	(pc) =	sbr.rel @p0 .LBB2_2-.Ltmp2, $4  }
0x2e: {  	[tilespmem:s26+$0x2830] =	vst v0  }
0x2f: {  	[tilespmem:s26+$0x2840] =	vst v0  }
0x30: {  	[tilespmem:s26+$0x2850] =	vst v0  }
0x31: {  	[tilespmem:s26+$0x2860] =	vst v0;
	s26 =	sshra.s32 s31, $0x2;
	s31 =	sadd.s32 $0x200, s31  }
0x32: {  	[tilespmem:s26+$0x2870] =	vst v0  }
0x33: {  	[tilespmem:s26+$0x2800] =	vst v0  }
0x34: {  	[tilespmem:s26+$0x2810] =	vst v0  }
0x35: {  	[tilespmem:s26+$0x2820] =	vst v0  }
0x36: {  	[tilespmem:s26+$0x2830] =	vst v0  }
0x37: {  	[tilespmem:s26+$0x2840] =	vst v0  }
0x38: {  	[tilespmem:s26+$0x2850] =	vst v0  }
0x39: {  	[tilespmem:s26+$0x2860] =	vst v0  }
0x3a: {  	[tilespmem:$0xA880] =	vst v0  }
0x3b: {  	[tilespmem:$0xA890] =	vst v0  }
0x3c: {  	[tilespmem:$0xA8A0] =	vst v0  }
0x3d: {  	[tilespmem:$0xA8B0] =	vst v0  }
0x3e: {  	[tilespmem:$0xA8C0] =	vst v0  }
0x3f: {  	[tilespmem:$0xA8D0] =	vst v0  }
0x40: {  	[tilespmem:$0xA8E0] =	vst v0  }
0x41: {  	[tilespmem:$0xA8F0] =	vst v0  }
0x42: {  	[tilespmem:$0xA900] =	vst v0  }
0x43: {  	[tilespmem:$0xA910] =	vst v0  }
0x44: {  	[tilespmem:$0xA920] =	vst v0  }
0x45: {  	[tilespmem:$0xA930] =	vst v0  }
0x46: {  	[tilespmem:$0xA940] =	vst v0  }
0x47: {  	[tilespmem:$0xA950] =	vst v0  }
0x48: {  	[tilespmem:$0xA960] =	vst v0  }
0x49: {  	[tilespmem:$0xA970] =	vst v0  }
0x4a: {  	[tilespmem:$0xA980] =	vst v0  }
0x4b: {  	[tilespmem:$0xA990] =	vst v0  }
0x4c: {  	[tilespmem:$0xA9A0] =	vst v0  }
0x4d: {  	[tilespmem:$0xA9B0] =	vst v0  }
0x4e: {  	[tilespmem:$0xA9C0] =	vst v0  }
0x4f: {  	[tilespmem:$0xA9D0] =	vst v0  }
0x50: {  	[tilespmem:$0xA9E0] =	vst v0  }
0x51: {  	[tilespmem:$0xA9F0] =	vst v0  }
0x52: {  	[tilespmem:$0xAA00] =	vst v0  }
0x53: {  	[tilespmem:$0xAA10] =	vst v0  }
0x54: {  	[tilespmem:$0xAA20] =	vst v0  }
0x55: {  	[tilespmem:$0xAA30] =	vst v0  }
0x56: {  	[tilespmem:$0xAA40] =	vst v0  }
0x57: {  	[tilespmem:$0xAA50] =	vst v0  }
0x58: {  	[tilespmem:$0xAA60] =	vst v0  }
0x59: {  	[tilespmem:$0xAA70] =	vst v0  }
0x5a: {  	[tilespmem:$0xAA80] =	vst v0  }
0x5b: {  	[tilespmem:$0xAA90] =	vst v0  }
0x5c: {  	[tilespmem:$0xAAA0] =	vst v0  }
0x5d: {  	[tilespmem:$0xAAB0] =	vst v0  }
0x5e: {  	[tilespmem:$0xAAC0] =	vst v0  }
0x5f: {  	[tilespmem:$0xAAD0] =	vst v0  }
0x60: {  	[tilespmem:$0xAAE0] =	vst v0  }
0x61: {  	[tilespmem:$0xAAF0] =	vst v0  }
0x62: {  	[tilespmem:$0xA800] =	vst v1  }
0x63: {  	[tilespmem:$0xA810] =	vst v1  }
0x64: {  	[tilespmem:$0xA820] =	vst v1  }
0x65: {  	[tilespmem:$0xA830] =	vst v1  }
0x66: {  	[tilespmem:$0xA840] =	vst v1  }
0x67: {  	[tilespmem:$0xA850] =	vst v1  }
0x68: {  	[tilespmem:$0xA860] =	vst v1  }
0x69: {  	[tilespmem:$0xA870] =	vst v1  }
0x6a: {  	[spmem:s7] =	stream.linear.scatter [tilespmem:s19], [sflag:$0x5], $0x4000, $0x38;
	[tilespmem:$0x1ED80] =	vst v63  }
0x6b: {  	_ =	swait.ge [sflag:s17], $0x4000  }
0x6c: {  	[sflag:s17] =	ssyncset.done $0x0  }
0x6d: {  	[sflag:s17] =	ssyncadd.s32 $0xFFFFC000  }
0x6e: {  	[spmem:s9] =	stream.linear.scatter [tilespmem:s19], [sflag:$0x5], $0x4000, $0x38;
	[tilespmem:$0x1ED80] =	vst v63  }
0x6f: {  	_ =	swait.ge [sflag:s17], $0x4000  }
0x70: {  	[sflag:s17] =	ssyncset.done $0x0  }
0x71: {  	[sflag:s17] =	ssyncadd.s32 $0xFFFFC000  }
0x72: {  	[spmem:s10] =	stream.linear.scatter [tilespmem:s19], [sflag:$0x5], $0x4000, $0x38;
	[tilespmem:$0x1ED80] =	vst v63  }
0x73: {  	_ =	swait.ge [sflag:s17], $0x4000  }
0x74: {  	[sflag:s17] =	ssyncset.done $0x0  }
0x75: {  	[sflag:s17] =	ssyncadd.s32 $0xFFFFC000  }
0x76: {  	[spmem:s11] =	stream.linear.scatter [tilespmem:s19], [sflag:$0x5], $0x4000, $0x38;
	[tilespmem:$0x1ED80] =	vst v63  }
0x77: {  	_ =	swait.ge [sflag:s17], $0x4000  }
0x78: {  	[sflag:s17] =	ssyncset.done $0x0  }
0x79: {  	[sflag:s17] =	ssyncadd.s32 $0xFFFFC000  }
0x7a: {  	[spmem:s12] =	stream.linear.scatter [tilespmem:s19], [sflag:$0x5], $0x4000, $0x38;
	[tilespmem:$0x1ED80] =	vst v63  }
0x7b: {  	_ =	swait.ge [sflag:s17], $0x4000  }
0x7c: {  	[sflag:s17] =	ssyncset.done $0x0  }
0x7d: {  	s0 =	simm.s32 $0xA880;
	[sflag:s17] =	ssyncadd.s32 $0xFFFFC000  }
0x7e: {  	[spmem:s13] =	stream.linear.scatter [tilespmem:s0], [sflag:$0x5], $0x280, $0x38;
	[tilespmem:$0x1ED80] =	vst v63  }
0x7f: {  	_ =	swait.ge [sflag:s17], $0x280  }
0x80: {  	[sflag:s17] =	ssyncset.done $0x0  }
0x81: {  	[sflag:s17] =	ssyncadd.s32 $0xFFFFFD80  }
0x82: {  	[bflag:$0x0] =	sbarrier.arrive $0xFFFF  }
0x83: {  	[tilespmem:s19], [sflag:$0x1] =	stream.indirect.gather [hbm4b:s5+s21], $0x80, s4, s21, $0xb8;
	[tilespmem:$0x1ED80] =	vst v63  }
0x84: {  	_ = 	snop  }
0x85: {  	[tilespmem:s22], [sflag:$0x2] =	stream.indirect.gather [hbm4b:s5+s21], $0x80, s21, s21, $0xb8;
	[tilespmem:$0x1ED80] =	vst v63  }
0x86: {  	_ =	swait.ge [sflag:s23], $0x4000  }
0x87: {  	[sflag:s23] =	ssyncset.done $0x0  }
0x88: {  	[sflag:s23] =	ssyncadd.s32 $0xFFFFC000  }
0x89: {  	[spmem:s2] =	stream.indirect.scatter.add.f32 [tilespmem:s19], [sflag:$0x3], $0x80, s18, s21, $0xb8;
	[tilespmem:$0x1ED80] =	vst v63  }
0x8a: {  	_ = 	snop  }
0x8b: {  	[spmem:s3] =	stream.indirect.scatter.add.f32 [tilespmem:s24], [sflag:$0x4], $0x1, s18, s21, $0xb8;
	[tilespmem:$0x1ED80] =	vst v63  }
0x8c: {  	_ =	swait.ge [sflag:s25], $0x4000  }
0x8d: {  	[sflag:s25] =	ssyncset.done $0x0  }
0x8e: {  	s26 =	simm.s32 $0x100;
	[sflag:s25] =	ssyncadd.s32 $0xFFFFC000  }
0x8f: {  	[tilespmem:s19], [sflag:$0x1] =	stream.indirect.gather [hbm4b:s5+s21], $0x80, s26, s21, $0xb8;
	[tilespmem:$0x1ED80] =	vst v63  }
0x90: {  	_ =	swait.ge [sflag:s28], $0x4000  }
0x91: {  	[sflag:s28] =	ssyncset.done $0x0  }
0x92: {  	[sflag:s28] =	ssyncadd.s32 $0xFFFFC000  }
0x93: {  	[spmem:s2] =	stream.indirect.scatter.add.f32 [tilespmem:s22], [sflag:$0x3], $0x80, s29, s21, $0xb8;
	[tilespmem:$0x1ED80] =	vst v63  }
0x94: {  	_ =	swait.ge [sflag:s30], $0x80  }
0x95: {  	[sflag:s30] =	ssyncset.done $0x0  }
0x96: {  	[sflag:s30] =	ssyncadd.s32 $0xFFFFFF80  }
0x97: {  	[spmem:s3] =	stream.indirect.scatter.add.f32 [tilespmem:s24], [sflag:$0x4], $0x1, s29, s21, $0xb8;
	[tilespmem:$0x1ED80] =	vst v63  }
0x98: {  	_ =	swait.ge [sflag:s25], $0x4000  }
0x99: {  	[sflag:s25] =	ssyncset.done $0x0  }
0x9a: {  	s31 =	simm.s32 $0x180;
	s26 =	simm.s32 $0xFFFFB800;
	[sflag:s25] =	ssyncadd.s32 $0xFFFFC000  }
0x9b: {  	[tilespmem:s22], [sflag:$0x2] =	stream.indirect.gather [hbm4b:s5+s21], $0x80, s31, s21, $0xb8;
	[tilespmem:$0x1ED80] =	vst v63  }
.LBB2_4:
0x9c: {  	_ =	swait.ge [sflag:s23], $0x4000  }
0x9d: {  	s31 =	sshra.s32 s26, $0x2;
	[sflag:s23] =	ssyncset.done $0x0  }
0x9e: {  	s1 =	sadd.s32 $0x2700, s31;
	[sflag:s23] =	ssyncadd.s32 $0xFFFFC000  }
0x9f: {  	[spmem:s2] =	stream.indirect.scatter.add.f32 [tilespmem:s19], [sflag:$0x3], $0x80, s1, s21, $0xb8;
	[tilespmem:$0x1ED80] =	vst v63  }
0xa0: {  	_ =	swait.ge [sflag:s30], $0x80  }
0xa1: {  	[sflag:s30] =	ssyncset.done $0x0  }
0xa2: {  	[sflag:s30] =	ssyncadd.s32 $0xFFFFFF80  }
0xa3: {  	[spmem:s3] =	stream.indirect.scatter.add.f32 [tilespmem:s24], [sflag:$0x4], $0x1, s1, s21, $0xb8;
	[tilespmem:$0x1ED80] =	vst v63  }
0xa4: {  	p0 =	seq.s32 s26, $0x0;
	_ =	swait.ge [sflag:s25], $0x4000  }
0xa5: {  	s0 =	simm.s32 @!p0 $0x80;
	s1 =	sshra.s32 @!p0 s26, $0x2;
	[sflag:s25] =	ssyncset.done $0x0  }
0xa6: {  	s6 =	simm.s32 @!p0 $0x2800;
	s1 =	sadd.s32 @!p0 $0x1400, s1;
	[sflag:s25] =	ssyncadd.s32 $0xFFFFC000  }
0xa7: {  	[tilespmem:s6], [sflag:$0x1] =	stream.indirect.gather @!p0 [hbm4b:s5+s0], $0x80, s1, s0, $0xb8;
	[tilespmem:$0x1ED80] =	vst v63  }
0xa8: {  	_ =	swait.ge [sflag:s28], $0x4000  }
0xa9: {  	[sflag:s28] =	ssyncset.done $0x0  }
0xaa: {  	s6 =	sadd.s32 $0x2780, s31;
	[sflag:s28] =	ssyncadd.s32 $0xFFFFC000  }
0xab: {  	[spmem:s2] =	stream.indirect.scatter.add.f32 [tilespmem:s22], [sflag:$0x3], $0x80, s6, s21, $0xb8;
	[tilespmem:$0x1ED80] =	vst v63  }
0xac: {  	_ =	swait.ge [sflag:s30], $0x80  }
0xad: {  	[sflag:s30] =	ssyncset.done $0x0  }
.Ltmp3:
0xae: {  	[sflag:s30] =	ssyncadd.s32 $0xFFFFFF80;
	(pc) =	sbr.rel @p0 .LBB2_6-.Ltmp3, $4  }
0xaf: {  	[spmem:s3] =	stream.indirect.scatter.add.f32 [tilespmem:s24], [sflag:$0x4], $0x1, s6, s21, $0xb8;
	[tilespmem:$0x1ED80] =	vst v63  }
0xb0: {  	_ =	swait.ge [sflag:s25], $0x4000  }
0xb1: {  	[sflag:s25] =	ssyncset.done $0x0  }
0xb2: {  	[sflag:s25] =	ssyncadd.s32 $0xFFFFC000  }
.Ltmp4:
0xb3: {  	(pc) =	sbr.rel .LBB2_4-.Ltmp4, $3  }
0xb4: {  	_ =	sdelay $0x1  }
0xb5: {  	s0 =	sadd.s32 $0x1480, s31;
	s26 =	sadd.s32 $0x400, s26  }
0xb6: {  	[tilespmem:s22], [sflag:$0x2] =	stream.indirect.gather [hbm4b:s5+s21], $0x80, s0, s21, $0xb8;
	[tilespmem:$0x1ED80] =	vst v63  }
.LBB2_7:
0xb7: {  	_ =	sfence.sel $0x180000  }
0xb8: {  	[bflag:$0x0] =	sbarrier.arrive $0xFFFF  }
0xb9: {  	_ =	strace $0x90000047  }
0xba: {  	s0 =	stileid.u32;
	[bflag:$0x2] =	sbarrier.arrive $0xFFFF  }
0xbb: {  	p0 =	sne.s32 s0, $0x0;
	s0 =	rddreg [dreg:$0x3]  }
0xbc: {  	s0 =	sadd.s32 @!p0 $0x100000, s0  }
0xbd: {  	[sflag:s0] =	ssyncadd.tile.s32 @!p0 $0x1;
	_ =	shalt  }
.Lfunc_end2:
_tile_overlayer_lowered:
.L_overlay_start_2:
0xbe: {  	(tag) =	ssettag $0x2  }
0xbf: {  	s0 =	rddreg [dreg:$0x0];
	s2 =	stileid.u32  }
0xc0: {  	s1 =	rddreg [dreg:$0x1];
	p0 =	sne.s32 s2, $0x0  }
0xc1: {  	s3 =	rddreg [dreg:$0x2];
	[bflag:$0x3] =	sbarrier.arrive $0xFFFF;
	s2 =	simm.s32 @!p0 $0x1C05  }
0xc2: {  	[timem:s3], [sflag:s2] =	dma.local @!p0 [hbm:s0], s1  }
0xc3: {  	s0 =	simm.s32 @!p0 $0x5  }
0xc4: {  	_ =	swait.ge @!p0 [sflag:s0], s1  }
0xc5: {  	s1 =	ssub.s32 @!p0 $0x0, s1;
	[sflag:s0] =	ssyncset.done @!p0 $0x0  }
0xc6: {  	[sflag:s0] =	ssyncadd.s32 @!p0 s1  }
0xc7: {  	[bflag:$0x3] =	sbarrier.arrive $0xFFFF  }
0xc8: {  	_ =	shalt  }

</sc_bundles>
